<compile_context>
chip_gen: v7x
topology: tpu7x:2x2x1
jax: 0.10.2.dev20260603
libtpu: 0.0.44.dev20260713+nightly
codegen_flags: <defaults>
</compile_context>

<pallas_src>
import functools

import jax
import jax.numpy as jnp
from jax import lax
from jax.experimental import pallas as pl
from jax.experimental.pallas import tpu as pltpu
from jax.experimental.pallas import tpu_sc as plsc

VOCAB = 100000
EMB = 128
CS = 64
CTX = 50
NEG = 10

ROWS = 1024
RPW = ROWS // 32
EROWS = 64
BLK = 10240
NBLK = 10
FROWS = NBLK * BLK // 128


def _sweep_body(idx_e_ref, e_any, pmt_ref, pst_ref, mw_ref, mbc_ref,
                uw_ref, ubc_ref, ww_ref, wbc_ref, a_ref, b_ref, mupv_ref,
                ev, sem):
    f32 = jnp.float32
    hi = jax.lax.Precision.HIGHEST
    i = pl.program_id(0)

    @pl.when(i == 0)
    def _mlp():
        def fire(j, carry):
            r = idx_e_ref[j]
            pltpu.make_async_copy(
                e_any.at[pl.ds(r, 1)], ev.at[pl.ds(j, 1)], sem).start()
            return carry
        lax.fori_loop(0, EROWS, fire, 0)
        pltpu.make_async_copy(e_any.at[pl.ds(0, EROWS)], ev, sem).wait()

        e = ev[...]
        r128 = lax.broadcasted_iota(jnp.int32, (EMB, EMB), 0)
        c128 = lax.broadcasted_iota(jnp.int32, (EMB, EMB), 1)
        ident = jnp.where(r128 == c128, 1.0, 0.0).astype(f32)
        ext = lax.dot_general(ident, e[0:8, :], (((1,), (1,)), ((), ())),
                              precision=hi, preferred_element_type=f32)
        ect = lax.dot_general(ident, e[8:64, :], (((1,), (1,)), ((), ())),
                              precision=hi, preferred_element_type=f32)
        ex_col = ext[:, 0:1]
        rw = jax.nn.relu(
            lax.dot_general(mw_ref[...], ex_col, (((1,), (0,)), ((), ())),
                            precision=hi, preferred_element_type=f32)
            + mbc_ref[...])
        rcm = jax.nn.relu(
            lax.dot_general(mw_ref[...], ect, (((1,), (0,)), ((), ())),
                            precision=hi, preferred_element_type=f32)
            + mbc_ref[...])
        ccol = lax.broadcasted_iota(jnp.int32, (CS, 56), 1)
        rcm = jnp.where(ccol < CTX, rcm, 0.0)
        h2 = jnp.sum(rcm, axis=1, keepdims=True)
        h = jnp.concatenate([CTX * rw, h2], axis=0)
        mu = lax.dot_general(uw_ref[...], h, (((1,), (0,)), ((), ())),
                             precision=hi, preferred_element_type=f32) \
            + ubc_ref[...]
        z = lax.dot_general(ww_ref[...], h, (((1,), (0,)), ((), ())),
                            precision=hi, preferred_element_type=f32) \
            + wbc_ref[...]
        pv = jax.nn.softplus(z)
        lpv = jnp.sum(jnp.log(pv))
        lane8 = lax.broadcasted_iota(jnp.int32, (CS, 8), 1)
        mupv_ref[...] = (
            jnp.where(lane8 == 0, jnp.broadcast_to(mu, (CS, 8)), 0.0)
            + jnp.where(lane8 == 1, jnp.broadcast_to(pv, (CS, 8)), 0.0)
            + jnp.where(lane8 == 2, lpv, 0.0))

    mu_col = mupv_ref[:, 0:1]
    pv_col = mupv_ref[:, 1:2]
    pm = pmt_ref[...]
    s = pst_ref[...]
    v = s * s
    d = pm - mu_col
    a_part = jnp.sum((pv_col + d * d) / v, axis=0, keepdims=True)
    p = s
    for half in (32, 16, 8, 4, 2, 1):
        p = p[0:half, :] * p[half:2 * half, :]
    b_part = 2.0 * jnp.log(p)
    a_ref[...] = jnp.concatenate(
        [a_part[:, k * 128:(k + 1) * 128] for k in range(BLK // 128)], axis=0)
    b_ref[...] = jnp.concatenate(
        [b_part[:, k * 128:(k + 1) * 128] for k in range(BLK // 128)], axis=0)


def _sweep(idx_e, E, pmT, psT, M_w, M_bc, U_w, U_bc, W_w, W_bc):
    last = VOCAB // BLK
    return pl.pallas_call(
        _sweep_body,
        grid=(NBLK,),
        in_specs=[
            pl.BlockSpec(memory_space=pltpu.SMEM),
            pl.BlockSpec(memory_space=pl.ANY),
            pl.BlockSpec((CS, BLK), lambda i: (0, jnp.minimum(i, last))),
            pl.BlockSpec((CS, BLK), lambda i: (0, jnp.minimum(i, last))),
            pl.BlockSpec((CS, EMB), lambda i: (0, 0)),
            pl.BlockSpec((CS, 1), lambda i: (0, 0)),
            pl.BlockSpec((CS, EMB), lambda i: (0, 0)),
            pl.BlockSpec((CS, 1), lambda i: (0, 0)),
            pl.BlockSpec((CS, EMB), lambda i: (0, 0)),
            pl.BlockSpec((CS, 1), lambda i: (0, 0)),
        ],
        out_specs=[
            pl.BlockSpec((BLK // 128, 128), lambda i: (i, 0)),
            pl.BlockSpec((BLK // 128, 128), lambda i: (i, 0)),
            pl.BlockSpec((CS, 8), lambda i: (0, 0)),
        ],
        out_shape=[
            jax.ShapeDtypeStruct((FROWS, 128), jnp.float32),
            jax.ShapeDtypeStruct((FROWS, 128), jnp.float32),
            jax.ShapeDtypeStruct((CS, 8), jnp.float32),
        ],
        scratch_shapes=[pltpu.VMEM((EROWS, EMB), jnp.float32),
                        pltpu.SemaphoreType.DMA],
    )(idx_e, E, pmT, psT, M_w, M_bc, U_w, U_bc, W_w, W_bc)


def _sc_gather(idx_all, a_arr, b_arr):
    mesh = plsc.VectorSubcoreMesh(core_axis_name="c", subcore_axis_name="s")

    @functools.partial(
        pl.kernel,
        out_type=(
            jax.ShapeDtypeStruct((ROWS, 128), jnp.float32),
            jax.ShapeDtypeStruct((ROWS, 128), jnp.float32),
        ),
        mesh=mesh,
        scratch_types=(
            pltpu.VMEM((RPW,), jnp.int32),
            pltpu.VMEM((RPW,), jnp.int32),
            pltpu.VMEM((RPW, 128), jnp.float32),
            pltpu.VMEM((RPW, 128), jnp.float32),
            pltpu.SemaphoreType.DMA,
            pltpu.SemaphoreType.DMA,
        ),
    )
    def k(idx_hbm, a_hbm, b_hbm, out_a, out_b, idxv, tilev, rows_a, rows_b,
          sem0, sem1):
        wid = lax.axis_index("s") * 2 + lax.axis_index("c")
        base = wid * RPW
        pltpu.sync_copy(idx_hbm.at[pl.ds(base, RPW)], idxv)
        for g in range(RPW // 16):
            iv = idxv[pl.ds(16 * g, 16)]
            tilev[pl.ds(16 * g, 16)] = lax.shift_right_logical(iv, 7)
        cp0 = pltpu.async_copy(a_hbm.at[tilev], rows_a, sem0)
        cp1 = pltpu.async_copy(b_hbm.at[tilev], rows_b, sem1)
        cp0.wait()
        pltpu.sync_copy(rows_a, out_a.at[pl.ds(base, RPW)])
        cp1.wait()
        pltpu.sync_copy(rows_b, out_b.at[pl.ds(base, RPW)])

    return k(idx_all, a_arr, b_arr)


def _hinge_body(ar_ref, br_ref, sub_ref, mupv_ref, out_ref):
    f32 = jnp.float32
    hi = jax.lax.Precision.HIGHEST
    lpv = mupv_ref[0:1, 2:3]
    lane = lax.broadcasted_iota(jnp.int32, (ROWS, 128), 1)
    onehot = jnp.where(lane == sub_ref[...], 1.0, 0.0).astype(f32)
    a = jnp.sum(ar_ref[...] * onehot, axis=1, keepdims=True)
    b = jnp.sum(br_ref[...] * onehot, axis=1, keepdims=True)
    kl = 0.5 * (a + b - CS - lpv)

    kl_x = kl[0:1, 0:1]
    kl_pos = kl[64:128, :]
    kl_neg = kl[256:768, :]
    irow = lax.broadcasted_iota(jnp.int32, (512, 64), 0)
    icol = lax.broadcasted_iota(jnp.int32, (512, 64), 1)
    sel = jnp.where(irow // NEG == icol, 1.0, 0.0).astype(f32)
    pos_for_neg = lax.dot_general(sel, kl_pos, (((1,), (0,)), ((), ())),
                                  precision=hi, preferred_element_type=f32)
    hinge = jnp.maximum(kl_neg - pos_for_neg + 1.0, 0.0)
    nrow = lax.broadcasted_iota(jnp.int32, (512, 1), 0)
    hinge = jnp.where(nrow < CTX * NEG, hinge, 0.0)
    out_ref[...] = jnp.sum(hinge, keepdims=True) - kl_x


def kernel(x, context, neg_samples, E, M_w, M_b, U_w, U_b, W_w, W_b,
           prior_mus, prior_sigmas):
    zi = jnp.zeros((), jnp.int32)
    x = x.astype(jnp.int32)
    context = context.astype(jnp.int32)
    negf = neg_samples.reshape(-1).astype(jnp.int32)
    idx_all = jnp.concatenate([
        x, jnp.full((63,), zi), context, jnp.full((142,), zi),
        negf, jnp.full((ROWS - 756,), zi)])
    idx_e = jnp.concatenate([x, jnp.full((7,), zi), context,
                             jnp.full((6,), zi)])
    sub = (idx_all & 127).reshape(ROWS, 1)

    a_arr, b_arr, mupv = _sweep(
        idx_e, E, prior_mus.T, prior_sigmas.T,
        M_w, M_b.reshape(CS, 1), U_w, U_b.reshape(CS, 1),
        W_w, W_b.reshape(CS, 1))
    ar, br = _sc_gather(idx_all, a_arr, b_arr)
    out = pl.pallas_call(
        _hinge_body,
        out_shape=jax.ShapeDtypeStruct((1, 1), jnp.float32),
    )(ar, br, sub, mupv)
    return out.reshape((1,))

# --- scband reference (transcript-rebuilt; emitter-appended) ---
"""Pipeline reference for scband-bayesian-skipgram-18614388261031 (READ-ONLY COPY).

The authoritative reference and input builder live on the scoring server;
editing this copy changes nothing except your own understanding.
"""

import jax, jax.numpy as jnp
import numpy as np

VOCAB = 100000
EMB = 128
CS = 64
CTX = 50
NEG = 10


def setup_inputs(seed: int = 0) -> dict:
    key = jax.random.key(seed)
    ks = jax.random.split(key, 12)
    return {
        "x": jax.random.randint(ks[0], (1,), 0, VOCAB),
        "context": jax.random.randint(ks[1], (CTX,), 0, VOCAB),
        "neg_samples": jax.random.randint(ks[2], (CTX, NEG), 0, VOCAB),
        "E": jax.random.normal(ks[3], (VOCAB, EMB), dtype=jnp.float32),
        "M_w": jax.random.normal(ks[4], (CS, EMB), dtype=jnp.float32) / np.sqrt(EMB),
        "M_b": jnp.zeros((CS,), jnp.float32),
        "U_w": jax.random.normal(ks[5], (CS, 2 * CS), dtype=jnp.float32) / np.sqrt(2 * CS),
        "U_b": jnp.zeros((CS,), jnp.float32),
        "W_w": jax.random.normal(ks[6], (CS, 2 * CS), dtype=jnp.float32) / np.sqrt(2 * CS),
        "W_b": jnp.zeros((CS,), jnp.float32),
        "prior_mus": jax.random.normal(ks[7], (VOCAB, CS), dtype=jnp.float32),
        "prior_sigmas": jax.random.uniform(ks[8], (VOCAB, CS), dtype=jnp.float32, minval=0.5, maxval=1.5),
    }


def reference(x, context, neg_samples, E, M_w, M_b, U_w, U_b, W_w, W_b, prior_mus, prior_sigmas):
    # Rw = M(Embedding(x).repeat(len(context), 1)) ; Rc = M(Embedding(context))
    emb_x = E[x]                                   # [1, EMB]
    Rw = jnp.tile(emb_x, (CTX, 1)) @ M_w.T + M_b   # [CTX, CS]
    Rc = E[context] @ M_w.T + M_b                  # [CTX, CS]
    h = jax.nn.relu(jnp.concatenate([Rw, Rc], axis=1)).sum(0)  # [2*CS]
    mu = U_w @ h + U_b                             # [CS]
    sigma = jax.nn.softplus(W_w @ h + W_b)         # [CS]  (posterior covariance diagonal, as in torch diagflat(sigma))
    post_var = sigma
    log_post_var = jnp.sum(jnp.log(post_var))

    # KL( N(mu, diag(post_var)) || N(m, diag(v)) ), vectorized over leading dims of m, v
    def kl_post_to(m, v):
        return 0.5 * (
            jnp.sum(post_var / v, axis=-1)
            + jnp.sum((m - mu) ** 2 / v, axis=-1)
            - CS
            + jnp.sum(jnp.log(v), axis=-1)
            - log_post_var
        )

    pos_mu = prior_mus[context]                    # [CTX, CS]
    pos_var = prior_sigmas[context] ** 2
    neg_mu = prior_mus[neg_samples]                # [CTX, NEG, CS]
    neg_var = prior_sigmas[neg_samples] ** 2
    kl_pos = kl_post_to(pos_mu, pos_var)           # [CTX]
    kl_neg = kl_post_to(neg_mu, neg_var)           # [CTX, NEG]
    likelihood = jnp.sum(jnp.maximum(0.0, kl_neg - kl_pos[:, None] + 1.0))

    prior_mu = prior_mus[x]                        # [1, CS]
    prior_var = prior_sigmas[x] ** 2
    kl_prior = kl_post_to(prior_mu, prior_var)     # [1]
    return likelihood - kl_prior

if __name__ == "__main__":
    import jax
    _d = setup_inputs()
    print(jax.jit(kernel)(*tuple(_d.values())))

</pallas_src>

<mosaic_0001>
#map = affine_map<(d0, d1) -> (0)>
#map1 = affine_map<(d0, d1) -> (0, 0)>
module attributes {stable_mosaic.version = 14 : i64} {
  func.func @k(%arg0: i32, %arg1: i32, %arg2: memref<1024xi32, #tpu.memory_space<hbm>>, %arg3: memref<800x128xf32, #tpu.memory_space<hbm>>, %arg4: memref<800x128xf32, #tpu.memory_space<hbm>>, %arg5: memref<1024x128xf32, #tpu.memory_space<hbm>>, %arg6: memref<1024x128xf32, #tpu.memory_space<hbm>>, %arg7: memref<32xi32, #tpu.memory_space<vmem>>, %arg8: memref<32xi32, #tpu.memory_space<vmem>>, %arg9: memref<32x128xf32, #tpu.memory_space<vmem>>, %arg10: memref<32x128xf32, #tpu.memory_space<vmem>>, %arg11: memref<!tpu.dma_semaphore, #tpu.memory_space<semaphore_mem>>, %arg12: memref<!tpu.dma_semaphore, #tpu.memory_space<semaphore_mem>>) attributes {dimension_semantics = [#tpu.dimension_semantics<core_parallel>, #tpu.dimension_semantics<subcore_parallel>], iteration_bounds = array<i64: 2, 16>, scalar_prefetch = 0 : i64, scratch_operands = 6 : i64, tpu.core_type = #tpu.core_type<sc_vector_subcore>, window_params = [{transform_indices = #map}, {transform_indices = #map1}, {transform_indices = #map1}, {transform_indices = #map1}, {transform_indices = #map1}]} {
    %mul3A = arith.constant 2 : i32
    %mul3A_0 = arith.muli %arg1, %mul3A : i32
    %add3A = arith.addi %mul3A_0, %arg0 : i32
    %mul3A_1 = arith.constant 32 : i32
    %mul3A_2 = arith.muli %add3A, %mul3A_1 : i32
    "tpu.region"() ({
      %run_scoped3A = tpu.sem_alloc : memref<!tpu.dma_semaphore, #tpu.memory_space<semaphore_mem>>
      %dma_start3A_30 = tpu.memref_slice %arg2[%mul3A_2] : memref<1024xi32, #tpu.memory_space<hbm>> -> memref<32xi32, #tpu.memory_space<hbm>>
      %dma_start3A_31 = tpu.memref_slice %arg2[%mul3A_2] : memref<1024xi32, #tpu.memory_space<hbm>> -> memref<32xi32, #tpu.memory_space<hbm>>
      tpu.enqueue_dma source(%dma_start3A_31 : memref<32xi32, #tpu.memory_space<hbm>>) target(%arg7 : memref<32xi32, #tpu.memory_space<vmem>>) target_semaphore(%run_scoped3A : memref<!tpu.dma_semaphore, #tpu.memory_space<semaphore_mem>>)
      %dma_wait3A_32 = tpu.memref_slice %arg2[%mul3A_2] : memref<1024xi32, #tpu.memory_space<hbm>> -> memref<32xi32, #tpu.memory_space<hbm>>
      %dma_wait3A_33 = tpu.memref_slice %arg2[%mul3A_2] : memref<1024xi32, #tpu.memory_space<hbm>> -> memref<32xi32, #tpu.memory_space<hbm>>
      tpu.wait_dma2 semaphore(%run_scoped3A : memref<!tpu.dma_semaphore, #tpu.memory_space<semaphore_mem>>) src(%dma_wait3A_33 : memref<32xi32, #tpu.memory_space<hbm>>) dst(%arg7 : memref<32xi32, #tpu.memory_space<vmem>>)
      tpu.yield
    }) : () -> ()
    %get3A = arith.constant 0 : index
    %get3A_3 = tpu.vector_load %arg7[%get3A] {strides = array<i32>} : memref<32xi32, #tpu.memory_space<vmem>>, vector<16xi32>,
    %get3A_4 = vector.shape_cast %get3A_3 : vector<16xi32> to vector<16xi32>
    %shift_right_logical3A = arith.constant 7 : i32
    %shift_right_logical3A_5 = vector.broadcast %shift_right_logical3A : i32 to vector<16xi32>
    %shift_right_logical3A_6 = arith.shrui %get3A_4, %shift_right_logical3A_5 : vector<16xi32>
    %swap3A = arith.constant 0 : index
    %swap3A_7 = tpu.vector_load %arg8[%swap3A] {strides = array<i32>} : memref<32xi32, #tpu.memory_space<vmem>>, vector<16xi32>,
    %swap3A_8 = vector.shape_cast %swap3A_7 : vector<16xi32> to vector<16xi32>
    %swap3A_9 = vector.shape_cast %shift_right_logical3A_6 : vector<16xi32> to vector<16xi32>
    tpu.vector_store %arg8[%swap3A], %swap3A_9 {strides = array<i32>} : memref<32xi32, #tpu.memory_space<vmem>>, vector<16xi32>,
    %get3A_10 = arith.constant 16 : index
    %get3A_11 = tpu.vector_load %arg7[%get3A_10] {strides = array<i32>} : memref<32xi32, #tpu.memory_space<vmem>>, vector<16xi32>,
    %get3A_12 = vector.shape_cast %get3A_11 : vector<16xi32> to vector<16xi32>
    %shift_right_logical3A_13 = arith.constant 7 : i32
    %shift_right_logical3A_14 = vector.broadcast %shift_right_logical3A_13 : i32 to vector<16xi32>
    %shift_right_logical3A_15 = arith.shrui %get3A_12, %shift_right_logical3A_14 : vector<16xi32>
    %swap3A_16 = arith.constant 16 : index
    %swap3A_17 = tpu.vector_load %arg8[%swap3A_16] {strides = array<i32>} : memref<32xi32, #tpu.memory_space<vmem>>, vector<16xi32>,
    %swap3A_18 = vector.shape_cast %swap3A_17 : vector<16xi32> to vector<16xi32>
    %swap3A_19 = vector.shape_cast %shift_right_logical3A_15 : vector<16xi32> to vector<16xi32>
    tpu.vector_store %arg8[%swap3A_16], %swap3A_19 {strides = array<i32>} : memref<32xi32, #tpu.memory_space<vmem>>, vector<16xi32>,
    %dma_start3A = arith.constant 0 : i32
    %dma_start3A_20 = arith.constant 0 : i32
    %dma_start3A_21 = tpu.memref_slice %arg3[%dma_start3A, %dma_start3A_20] : memref<800x128xf32, #tpu.memory_space<hbm>> -> memref<800x128xf32, #tpu.memory_space<hbm>>
    tpu.enqueue_indirect_dma source(%dma_start3A_21 : memref<800x128xf32, #tpu.memory_space<hbm>>) target(%arg9 : memref<32x128xf32, #tpu.memory_space<vmem>>) offsets(%arg8 : memref<32xi32, #tpu.memory_space<vmem>>) semaphore(%arg11 : memref<!tpu.dma_semaphore, #tpu.memory_space<semaphore_mem>>)
    %dma_start3A_22 = arith.constant 0 : i32
    %dma_start3A_23 = arith.constant 0 : i32
    %dma_start3A_24 = tpu.memref_slice %arg4[%dma_start3A_22, %dma_start3A_23] : memref<800x128xf32, #tpu.memory_space<hbm>> -> memref<800x128xf32, #tpu.memory_space<hbm>>
    tpu.enqueue_indirect_dma source(%dma_start3A_24 : memref<800x128xf32, #tpu.memory_space<hbm>>) target(%arg10 : memref<32x128xf32, #tpu.memory_space<vmem>>) offsets(%arg8 : memref<32xi32, #tpu.memory_space<vmem>>) semaphore(%arg12 : memref<!tpu.dma_semaphore, #tpu.memory_space<semaphore_mem>>)
    %dma_wait3A = arith.constant 0 : i32
    %dma_wait3A_25 = arith.constant 0 : i32
    %dma_wait3A_26 = tpu.memref_slice %arg3[%dma_wait3A, %dma_wait3A_25] : memref<800x128xf32, #tpu.memory_space<hbm>> -> memref<800x128xf32, #tpu.memory_space<hbm>>
    tpu.wait_indirect_dma semaphore(%arg11 : memref<!tpu.dma_semaphore, #tpu.memory_space<semaphore_mem>>) src(%dma_wait3A_26 : memref<800x128xf32, #tpu.memory_space<hbm>>) dst(%arg9 : memref<32x128xf32, #tpu.memory_space<vmem>>)
    "tpu.region"() ({
      %run_scoped3A = tpu.sem_alloc : memref<!tpu.dma_semaphore, #tpu.memory_space<semaphore_mem>>
      %dma_start3A_30 = arith.constant 0 : i32
      %dma_start3A_31 = tpu.memref_slice %arg5[%mul3A_2, %dma_start3A_30] : memref<1024x128xf32, #tpu.memory_space<hbm>> -> memref<32x128xf32, #tpu.memory_space<hbm>>
      %dma_start3A_32 = arith.constant 0 : i32
      %dma_start3A_33 = tpu.memref_slice %arg5[%mul3A_2, %dma_start3A_32] : memref<1024x128xf32, #tpu.memory_space<hbm>> -> memref<32x128xf32, #tpu.memory_space<hbm>>
      tpu.enqueue_dma source(%arg9 : memref<32x128xf32, #tpu.memory_space<vmem>>) target(%dma_start3A_33 : memref<32x128xf32, #tpu.memory_space<hbm>>) target_semaphore(%run_scoped3A : memref<!tpu.dma_semaphore, #tpu.memory_space<semaphore_mem>>)
      %dma_wait3A_34 = arith.constant 0 : i32
      %dma_wait3A_35 = tpu.memref_slice %arg5[%mul3A_2, %dma_wait3A_34] : memref<1024x128xf32, #tpu.memory_space<hbm>> -> memref<32x128xf32, #tpu.memory_space<hbm>>
      %dma_wait3A_36 = arith.constant 0 : i32
      %dma_wait3A_37 = tpu.memref_slice %arg5[%mul3A_2, %dma_wait3A_36] : memref<1024x128xf32, #tpu.memory_space<hbm>> -> memref<32x128xf32, #tpu.memory_space<hbm>>
      tpu.wait_dma2 semaphore(%run_scoped3A : memref<!tpu.dma_semaphore, #tpu.memory_space<semaphore_mem>>) src(%arg9 : memref<32x128xf32, #tpu.memory_space<vmem>>) dst(%dma_wait3A_37 : memref<32x128xf32, #tpu.memory_space<hbm>>)
      tpu.yield
    }) : () -> ()
    %dma_wait3A_27 = arith.constant 0 : i32
    %dma_wait3A_28 = arith.constant 0 : i32
    %dma_wait3A_29 = tpu.memref_slice %arg4[%dma_wait3A_27, %dma_wait3A_28] : memref<800x128xf32, #tpu.memory_space<hbm>> -> memref<800x128xf32, #tpu.memory_space<hbm>>
    tpu.wait_indirect_dma semaphore(%arg12 : memref<!tpu.dma_semaphore, #tpu.memory_space<semaphore_mem>>) src(%dma_wait3A_29 : memref<800x128xf32, #tpu.memory_space<hbm>>) dst(%arg10 : memref<32x128xf32, #tpu.memory_space<vmem>>)
    "tpu.region"() ({
      %run_scoped3A = tpu.sem_alloc : memref<!tpu.dma_semaphore, #tpu.memory_space<semaphore_mem>>
      %dma_start3A_30 = arith.constant 0 : i32
      %dma_start3A_31 = tpu.memref_slice %arg6[%mul3A_2, %dma_start3A_30] : memref<1024x128xf32, #tpu.memory_space<hbm>> -> memref<32x128xf32, #tpu.memory_space<hbm>>
      %dma_start3A_32 = arith.constant 0 : i32
      %dma_start3A_33 = tpu.memref_slice %arg6[%mul3A_2, %dma_start3A_32] : memref<1024x128xf32, #tpu.memory_space<hbm>> -> memref<32x128xf32, #tpu.memory_space<hbm>>
      tpu.enqueue_dma source(%arg10 : memref<32x128xf32, #tpu.memory_space<vmem>>) target(%dma_start3A_33 : memref<32x128xf32, #tpu.memory_space<hbm>>) target_semaphore(%run_scoped3A : memref<!tpu.dma_semaphore, #tpu.memory_space<semaphore_mem>>)
      %dma_wait3A_34 = arith.constant 0 : i32
      %dma_wait3A_35 = tpu.memref_slice %arg6[%mul3A_2, %dma_wait3A_34] : memref<1024x128xf32, #tpu.memory_space<hbm>> -> memref<32x128xf32, #tpu.memory_space<hbm>>
      %dma_wait3A_36 = arith.constant 0 : i32
      %dma_wait3A_37 = tpu.memref_slice %arg6[%mul3A_2, %dma_wait3A_36] : memref<1024x128xf32, #tpu.memory_space<hbm>> -> memref<32x128xf32, #tpu.memory_space<hbm>>
      tpu.wait_dma2 semaphore(%run_scoped3A : memref<!tpu.dma_semaphore, #tpu.memory_space<semaphore_mem>>) src(%arg10 : memref<32x128xf32, #tpu.memory_space<vmem>>) dst(%dma_wait3A_37 : memref<32x128xf32, #tpu.memory_space<hbm>>)
      tpu.yield
    }) : () -> ()
    return
  }
}

module attributes {stable_mosaic.version = 14 : i64} {
  func.func @_sweep_body(%arg0: i32, %arg1: memref<64xi32, #tpu.memory_space<smem>>, %arg2: memref<100000x128xf32, #tpu.memory_space<any>>, %arg3: memref<64x10240xf32, #tpu.memory_space<vmem>>, %arg4: memref<64x10240xf32, #tpu.memory_space<vmem>>, %arg5: memref<64x128xf32, #tpu.memory_space<vmem>>, %arg6: memref<64x1xf32, #tpu.memory_space<vmem>>, %arg7: memref<64x128xf32, #tpu.memory_space<vmem>>, %arg8: memref<64x1xf32, #tpu.memory_space<vmem>>, %arg9: memref<64x128xf32, #tpu.memory_space<vmem>>, %arg10: memref<64x1xf32, #tpu.memory_space<vmem>>, %arg11: memref<80x128xf32, #tpu.memory_space<vmem>>, %arg12: memref<80x128xf32, #tpu.memory_space<vmem>>, %arg13: memref<64x8xf32, #tpu.memory_space<vmem>>, %arg14: memref<64x128xf32, #tpu.memory_space<vmem>>, %arg15: memref<!tpu.dma_semaphore, #tpu.memory_space<semaphore_mem>>) attributes {dimension_semantics = [#tpu.dimension_semantics<arbitrary>], iteration_bounds = array<i64: 10>, scalar_prefetch = 0 : i64, scratch_operands = 2 : i64, tpu.core_type = #tpu.core_type<tc>, window_params = [{transform_indices = @transform_0, window_bounds = array<i64: 64>}, {}, {transform_indices = @transform_2, window_bounds = array<i64: 64, 10240>}, {transform_indices = @transform_3, window_bounds = array<i64: 64, 10240>}, {pipeline_mode = #tpu.pipeline_mode<synchronous>, transform_indices = @transform_4, window_bounds = array<i64: 64, 128>}, {pipeline_mode = #tpu.pipeline_mode<synchronous>, transform_indices = @transform_5, window_bounds = array<i64: 64, 1>}, {pipeline_mode = #tpu.pipeline_mode<synchronous>, transform_indices = @transform_6, window_bounds = array<i64: 64, 128>}, {pipeline_mode = #tpu.pipeline_mode<synchronous>, transform_indices = @transform_7, window_bounds = array<i64: 64, 1>}, {pipeline_mode = #tpu.pipeline_mode<synchronous>, transform_indices = @transform_8, window_bounds = array<i64: 64, 128>}, {pipeline_mode = #tpu.pipeline_mode<synchronous>, transform_indices = @transform_9, window_bounds = array<i64: 64, 1>}, {transform_indices = @transform_10, window_bounds = array<i64: 80, 128>}, {transform_indices = @transform_11, window_bounds = array<i64: 80, 128>}, {pipeline_mode = #tpu.pipeline_mode<synchronous>, transform_indices = @transform_12, window_bounds = array<i64: 64, 8>}]} {
    %eq3A = arith.constant 0 : i32
    %eq3A_0 = arith.cmpi eq, %arg0, %eq3A : i32
    %convert_element_type3A = arith.extui %eq3A_0 : i1 to i32
    %cond3A = arith.constant 0 : i32
    %cond3A_1 = arith.cmpi ne, %convert_element_type3A, %cond3A : i32
    scf.if %cond3A_1 {
      %scan3A = arith.constant 0 : i32
      %scan3A_203 = arith.constant 64 : i32
      %scan3A_204 = arith.addi %scan3A, %scan3A_203 : i32
      %scan3A_205 = arith.constant 1 : i32
      scf.for %scan3A_323 = %scan3A to %scan3A_204 step %scan3A_205  : i32 {
        %get3A_324 = arith.index_cast %scan3A_323 : i32 to index
        %get3A_325 = memref.load %arg1[%get3A_324] : memref<64xi32, #tpu.memory_space<smem>>
        %dma_start3A = arith.constant 0 : i32
        %dma_start3A_326 = tpu.memref_slice %arg14[%scan3A_323, %dma_start3A] : memref<64x128xf32, #tpu.memory_space<vmem>> -> memref<1x128xf32, #tpu.memory_space<vmem>>
        %dma_start3A_327 = arith.constant 0 : i32
        %dma_start3A_328 = tpu.memref_slice %arg2[%get3A_325, %dma_start3A_327] : memref<100000x128xf32, #tpu.memory_space<any>> -> memref<1x128xf32, #tpu.memory_space<any>>
        tpu.enqueue_dma source(%dma_start3A_328 : memref<1x128xf32, #tpu.memory_space<any>>) target(%dma_start3A_326 : memref<1x128xf32, #tpu.memory_space<vmem>>) target_semaphore(%arg15 : memref<!tpu.dma_semaphore, #tpu.memory_space<semaphore_mem>>)
      }
      %scan3A_206 = arith.constant 64 : i32
      %dma_wait3A = arith.constant 0 : i32
      %dma_wait3A_207 = arith.constant 0 : i32
      %dma_wait3A_208 = tpu.memref_slice %arg2[%dma_wait3A, %dma_wait3A_207] : memref<100000x128xf32, #tpu.memory_space<any>> -> memref<64x128xf32, #tpu.memory_space<any>>
      tpu.wait_dma2 semaphore(%arg15 : memref<!tpu.dma_semaphore, #tpu.memory_space<semaphore_mem>>) src(%dma_wait3A_208 : memref<64x128xf32, #tpu.memory_space<any>>) dst(%arg14 : memref<64x128xf32, #tpu.memory_space<vmem>>)
      %get3A_209 = arith.constant 0 : index
      %get3A_210 = arith.constant 0 : index
      %get3A_211 = vector.load %arg14[%get3A_209, %get3A_210] : memref<64x128xf32, #tpu.memory_space<vmem>>, vector<64x128xf32>
      %iota3A = tpu.iota {dimensions = array<i32: 0>} : vector<128x128xi32>
      %iota3A_212 = tpu.iota {dimensions = array<i32: 1>} : vector<128x128xi32>
      %eq3A_213 = arith.cmpi eq, %iota3A, %iota3A_212 : vector<128x128xi32>
      %jit3A = arith.constant 1.000000e+00 : f32
      %jit3A_214 = arith.constant 0.000000e+00 : f32
      %broadcast_in_dim3A_215 = vector.broadcast %jit3A : f32 to vector<128x128xf32>
      %broadcast_in_dim3A_216 = vector.broadcast %jit3A_214 : f32 to vector<128x128xf32>
      %select_n3A = arith.select %eq3A_213, %broadcast_in_dim3A_215, %broadcast_in_dim3A_216 : vector<128x128xi1>, vector<128x128xf32>
      %slice3A_217 = vector.extract_strided_slice %get3A_211 {offsets = [0, 0], sizes = [8, 128], strides = [1, 1]} : vector<64x128xf32> to vector<8x128xf32>
      %dot_general3A = arith.constant dense<0.000000e+00> : vector<128x8xf32>
      %dot_general3A_218 = tpu.matmul %select_n3A, %slice3A_217, %dot_general3A {dimension_numbers = #tpu.dot_dimension_numbers<[1], [1], [0], [0], [0, 0, 1, 0], [], []>, precision = #tpu.contract_precision<fp32>, transpose_lhs_hint = false} : vector<128x128xf32>, vector<8x128xf32>, vector<128x8xf32> -> vector<128x8xf32>
      %slice3A_219 = vector.extract_strided_slice %get3A_211 {offsets = [8, 0], sizes = [56, 128], strides = [1, 1]} : vector<64x128xf32> to vector<56x128xf32>
      %dot_general3A_220 = arith.constant dense<0.000000e+00> : vector<128x56xf32>
      %dot_general3A_221 = tpu.matmul %select_n3A, %slice3A_219, %dot_general3A_220 {dimension_numbers = #tpu.dot_dimension_numbers<[1], [1], [0], [0], [0, 0, 1, 0], [], []>, precision = #tpu.contract_precision<fp32>, transpose_lhs_hint = false} : vector<128x128xf32>, vector<56x128xf32>, vector<128x56xf32> -> vector<128x56xf32>
      %slice3A_222 = vector.extract_strided_slice %dot_general3A_218 {offsets = [0, 0], sizes = [128, 1], strides = [1, 1]} : vector<128x8xf32> to vector<128x1xf32>
      %get3A_223 = arith.constant 0 : index
      %get3A_224 = arith.constant 0 : index
      %get3A_225 = vector.load %arg5[%get3A_223, %get3A_224] : memref<64x128xf32, #tpu.memory_space<vmem>>, vector<64x128xf32>
      %dot_general3A_226 = arith.constant dense<0.000000e+00> : vector<64x1xf32>
      %dot_general3A_227 = tpu.matmul %get3A_225, %slice3A_222, %dot_general3A_226 {dimension_numbers = #tpu.dot_dimension_numbers<[1], [0], [0], [1], [0, 0, 1, 1], [], []>, precision = #tpu.contract_precision<fp32>, transpose_lhs_hint = false} : vector<64x128xf32>, vector<128x1xf32>, vector<64x1xf32> -> vector<64x1xf32>
      %get3A_228 = arith.constant 0 : index
      %get3A_229 = arith.constant 0 : index
      %get3A_230 = vector.load %arg6[%get3A_228, %get3A_229] : memref<64x1xf32, #tpu.memory_space<vmem>>, vector<64x1xf32>
      %add3A_231 = arith.addf %dot_general3A_227, %get3A_230 : vector<64x1xf32>
      %max3A = arith.constant 0.000000e+00 : f32
      %max3A_232 = vector.broadcast %max3A : f32 to vector<64x1xf32>
      %max3A_233 = arith.maximumf %add3A_231, %max3A_232 : vector<64x1xf32>
      %get3A_234 = arith.constant 0 : index
      %get3A_235 = arith.constant 0 : index
      %get3A_236 = vector.load %arg5[%get3A_234, %get3A_235] : memref<64x128xf32, #tpu.memory_space<vmem>>, vector<64x128xf32>
      %dot_general3A_237 = arith.constant dense<0.000000e+00> : vector<64x56xf32>
      %dot_general3A_238 = tpu.matmul %get3A_236, %dot_general3A_221, %dot_general3A_237 {dimension_numbers = #tpu.dot_dimension_numbers<[1], [0], [0], [1], [0, 0, 1, 1], [], []>, precision = #tpu.contract_precision<fp32>, transpose_lhs_hint = false} : vector<64x128xf32>, vector<128x56xf32>, vector<64x56xf32> -> vector<64x56xf32>
      %get3A_239 = arith.constant 0 : index
      %get3A_240 = arith.constant 0 : index
      %get3A_241 = vector.load %arg6[%get3A_239, %get3A_240] : memref<64x1xf32, #tpu.memory_space<vmem>>, vector<64x1xf32>
      %add3A_242 = vector.broadcast %get3A_241 : vector<64x1xf32> to vector<64x56xf32>
      %add3A_243 = arith.addf %dot_general3A_238, %add3A_242 : vector<64x56xf32>
      %max3A_244 = arith.constant 0.000000e+00 : f32
      %max3A_245 = vector.broadcast %max3A_244 : f32 to vector<64x56xf32>
      %max3A_246 = arith.maximumf %add3A_243, %max3A_245 : vector<64x56xf32>
      %iota3A_247 = tpu.iota {dimensions = array<i32: 1>} : vector<64x56xi32>
      %lt3A = arith.constant 50 : i32
      %lt3A_248 = vector.broadcast %lt3A : i32 to vector<64x56xi32>
      %lt3A_249 = arith.cmpi slt, %iota3A_247, %lt3A_248 : vector<64x56xi32>
      %jit3A_250 = arith.constant 0.000000e+00 : f32
      %broadcast_in_dim3A_251 = vector.broadcast %jit3A_250 : f32 to vector<64x56xf32>
      %select_n3A_252 = arith.select %lt3A_249, %max3A_246, %broadcast_in_dim3A_251 : vector<64x56xi1>, vector<64x56xf32>
      %reduce_sum3A_253 = arith.constant dense<0.000000e+00> : vector<64xf32>
      %reduce_sum3A_254 = vector.multi_reduction <add>, %select_n3A_252, %reduce_sum3A_253 [1] : vector<64x56xf32> to vector<64xf32>
      %broadcast_in_dim3A_255 = vector.shape_cast %reduce_sum3A_254 : vector<64xf32> to vector<64x1xf32>
      %mul3A_256 = arith.constant 5.000000e+01 : f32
      %mul3A_257 = vector.broadcast %mul3A_256 : f32 to vector<64x1xf32>
      %mul3A_258 = arith.mulf %mul3A_257, %max3A_233 : vector<64x1xf32>
      %concatenate3A_259 = tpu.concatenate %mul3A_258, %broadcast_in_dim3A_255 in 0 : vector<64x1xf32>, vector<64x1xf32> -> vector<128x1xf32>
      %get3A_260 = arith.constant 0 : index
      %get3A_261 = arith.constant 0 : index
      %get3A_262 = vector.load %arg7[%get3A_260, %get3A_261] : memref<64x128xf32, #tpu.memory_space<vmem>>, vector<64x128xf32>
      %dot_general3A_263 = arith.constant dense<0.000000e+00> : vector<64x1xf32>
      %dot_general3A_264 = tpu.matmul %get3A_262, %concatenate3A_259, %dot_general3A_263 {dimension_numbers = #tpu.dot_dimension_numbers<[1], [0], [0], [1], [0, 0, 1, 1], [], []>, precision = #tpu.contract_precision<fp32>, transpose_lhs_hint = false} : vector<64x128xf32>, vector<128x1xf32>, vector<64x1xf32> -> vector<64x1xf32>
      %get3A_265 = arith.constant 0 : index
      %get3A_266 = arith.constant 0 : index
      %get3A_267 = vector.load %arg8[%get3A_265, %get3A_266] : memref<64x1xf32, #tpu.memory_space<vmem>>, vector<64x1xf32>
      %add3A_268 = arith.addf %dot_general3A_264, %get3A_267 : vector<64x1xf32>
      %get3A_269 = arith.constant 0 : index
      %get3A_270 = arith.constant 0 : index
      %get3A_271 = vector.load %arg9[%get3A_269, %get3A_270] : memref<64x128xf32, #tpu.memory_space<vmem>>, vector<64x128xf32>
      %dot_general3A_272 = arith.constant dense<0.000000e+00> : vector<64x1xf32>
      %dot_general3A_273 = tpu.matmul %get3A_271, %concatenate3A_259, %dot_general3A_272 {dimension_numbers = #tpu.dot_dimension_numbers<[1], [0], [0], [1], [0, 0, 1, 1], [], []>, precision = #tpu.contract_precision<fp32>, transpose_lhs_hint = false} : vector<64x128xf32>, vector<128x1xf32>, vector<64x1xf32> -> vector<64x1xf32>
      %get3A_274 = arith.constant 0 : index
      %get3A_275 = arith.constant 0 : index
      %get3A_276 = vector.load %arg10[%get3A_274, %get3A_275] : memref<64x1xf32, #tpu.memory_space<vmem>>, vector<64x1xf32>
      %add3A_277 = arith.addf %dot_general3A_273, %get3A_276 : vector<64x1xf32>
      %custom_jvp_call3A = arith.constant 0.000000e+00 : f32
      %max3A_278 = vector.broadcast %custom_jvp_call3A : f32 to vector<64x1xf32>
      %max3A_279 = arith.maximumf %add3A_277, %max3A_278 : vector<64x1xf32>
      %sub3A_280 = vector.broadcast %custom_jvp_call3A : f32 to vector<64x1xf32>
      %sub3A_281 = arith.subf %add3A_277, %sub3A_280 : vector<64x1xf32>
      %ne3A = arith.cmpf one, %sub3A_281, %sub3A_281 : vector<64x1xf32>
      %add3A_282 = vector.broadcast %custom_jvp_call3A : f32 to vector<64x1xf32>
      %add3A_283 = arith.addf %add3A_277, %add3A_282 : vector<64x1xf32>
      %abs3A = math.absf %sub3A_281 : vector<64x1xf32>
      %neg3A = arith.constant 0.000000e+00 : f32
      %neg3A_284 = vector.broadcast %neg3A : f32 to vector<64x1xf32>
      %neg3A_285 = arith.subf %neg3A_284, %abs3A : vector<64x1xf32>
      %exp3A = math.exp %neg3A_285 : vector<64x1xf32>
      %log1p3A = math.log1p %exp3A : vector<64x1xf32>
      %add3A_286 = arith.addf %max3A_279, %log1p3A : vector<64x1xf32>
      %select_n3A_287 = arith.select %ne3A, %add3A_283, %add3A_286 : vector<64x1xi1>, vector<64x1xf32>
      %log3A_288 = math.log %select_n3A_287 : vector<64x1xf32>
      %reduce_sum3A_289 = vector.shape_cast %log3A_288 : vector<64x1xf32> to vector<1x64x1xf32>
      %reduce_sum3A_290 = arith.constant dense<0.000000e+00> : vector<1xf32>
      %reduce_sum3A_291 = vector.multi_reduction <add>, %reduce_sum3A_289, %reduce_sum3A_290 [1, 2] : vector<1x64x1xf32> to vector<1xf32>
      %reduce_sum3A_292 = vector.shape_cast %reduce_sum3A_291 : vector<1xf32> to vector<1x1x1xf32>
      %reduce_sum3A_293 = vector.extract %reduce_sum3A_292[0, 0, 0] : f32 from vector<1x1x1xf32>
      %iota3A_294 = tpu.iota {dimensions = array<i32: 1>} : vector<64x8xi32>
      %eq3A_295 = arith.constant 0 : i32
      %eq3A_296 = vector.broadcast %eq3A_295 : i32 to vector<64x8xi32>
      %eq3A_297 = arith.cmpi eq, %iota3A_294, %eq3A_296 : vector<64x8xi32>
      %broadcast_in_dim3A_298 = vector.shape_cast %add3A_268 : vector<64x1xf32> to vector<64x1xf32>
      %broadcast_in_dim3A_299 = vector.broadcast %broadcast_in_dim3A_298 : vector<64x1xf32> to vector<64x8xf32>
      %jit3A_300 = arith.constant 0.000000e+00 : f32
      %broadcast_in_dim3A_301 = vector.broadcast %jit3A_300 : f32 to vector<64x8xf32>
      %select_n3A_302 = arith.select %eq3A_297, %broadcast_in_dim3A_299, %broadcast_in_dim3A_301 : vector<64x8xi1>, vector<64x8xf32>
      %eq3A_303 = arith.constant 1 : i32
      %eq3A_304 = vector.broadcast %eq3A_303 : i32 to vector<64x8xi32>
      %eq3A_305 = arith.cmpi eq, %iota3A_294, %eq3A_304 : vector<64x8xi32>
      %broadcast_in_dim3A_306 = vector.shape_cast %select_n3A_287 : vector<64x1xf32> to vector<64x1xf32>
      %broadcast_in_dim3A_307 = vector.broadcast %broadcast_in_dim3A_306 : vector<64x1xf32> to vector<64x8xf32>
      %jit3A_308 = arith.constant 0.000000e+00 : f32
      %broadcast_in_dim3A_309 = vector.broadcast %jit3A_308 : f32 to vector<64x8xf32>
      %select_n3A_310 = arith.select %eq3A_305, %broadcast_in_dim3A_307, %broadcast_in_dim3A_309 : vector<64x8xi1>, vector<64x8xf32>
      %add3A_311 = arith.addf %select_n3A_302, %select_n3A_310 : vector<64x8xf32>
      %eq3A_312 = arith.constant 2 : i32
      %eq3A_313 = vector.broadcast %eq3A_312 : i32 to vector<64x8xi32>
      %eq3A_314 = arith.cmpi eq, %iota3A_294, %eq3A_313 : vector<64x8xi32>
      %jit3A_315 = arith.constant 0.000000e+00 : f32
      %broadcast_in_dim3A_316 = vector.broadcast %reduce_sum3A_293 : f32 to vector<64x8xf32>
      %broadcast_in_dim3A_317 = vector.broadcast %jit3A_315 : f32 to vector<64x8xf32>
      %select_n3A_318 = arith.select %eq3A_314, %broadcast_in_dim3A_316, %broadcast_in_dim3A_317 : vector<64x8xi1>, vector<64x8xf32>
      %add3A_319 = arith.addf %add3A_311, %select_n3A_318 : vector<64x8xf32>
      %swap3A_320 = arith.constant 0 : index
      %swap3A_321 = arith.constant 0 : index
      %swap3A_322 = vector.load %arg13[%swap3A_320, %swap3A_321] : memref<64x8xf32, #tpu.memory_space<vmem>>, vector<64x8xf32>
      tpu.vector_store %arg13[%swap3A_320, %swap3A_321], %add3A_319 {strides = array<i32>} : memref<64x8xf32, #tpu.memory_space<vmem>>, vector<64x8xf32>,
    } else {
    }
    %get3A = arith.constant 0 : index
    %get3A_2 = arith.constant 0 : index
    %get3A_3 = vector.load %arg13[%get3A, %get3A_2] : memref<64x8xf32, #tpu.memory_space<vmem>>, vector<64x1xf32>
    %get3A_4 = arith.constant 0 : index
    %get3A_5 = arith.constant 1 : index
    %get3A_6 = vector.load %arg13[%get3A_4, %get3A_5] : memref<64x8xf32, #tpu.memory_space<vmem>>, vector<64x1xf32>
    %get3A_7 = arith.constant 0 : index
    %get3A_8 = arith.constant 0 : index
    %get3A_9 = vector.load %arg3[%get3A_7, %get3A_8] : memref<64x10240xf32, #tpu.memory_space<vmem>>, vector<64x10240xf32>
    %get3A_10 = arith.constant 0 : index
    %get3A_11 = arith.constant 0 : index
    %get3A_12 = vector.load %arg4[%get3A_10, %get3A_11] : memref<64x10240xf32, #tpu.memory_space<vmem>>, vector<64x10240xf32>
    %mul3A = arith.mulf %get3A_12, %get3A_12 : vector<64x10240xf32>
    %sub3A = vector.broadcast %get3A_3 : vector<64x1xf32> to vector<64x10240xf32>
    %sub3A_13 = arith.subf %get3A_9, %sub3A : vector<64x10240xf32>
    %mul3A_14 = arith.mulf %sub3A_13, %sub3A_13 : vector<64x10240xf32>
    %add3A = vector.broadcast %get3A_6 : vector<64x1xf32> to vector<64x10240xf32>
    %add3A_15 = arith.addf %add3A, %mul3A_14 : vector<64x10240xf32>
    %div3A = arith.divf %add3A_15, %mul3A : vector<64x10240xf32>
    %reduce_sum3A = arith.constant dense<0.000000e+00> : vector<10240xf32>
    %reduce_sum3A_16 = vector.multi_reduction <add>, %div3A, %reduce_sum3A [0] : vector<64x10240xf32> to vector<10240xf32>
    %broadcast_in_dim3A = vector.shape_cast %reduce_sum3A_16 : vector<10240xf32> to vector<1x10240xf32>
    %slice3A = vector.extract_strided_slice %get3A_12 {offsets = [0, 0], sizes = [32, 10240], strides = [1, 1]} : vector<64x10240xf32> to vector<32x10240xf32>
    %slice3A_17 = vector.extract_strided_slice %get3A_12 {offsets = [32, 0], sizes = [32, 10240], strides = [1, 1]} : vector<64x10240xf32> to vector<32x10240xf32>
    %mul3A_18 = arith.mulf %slice3A, %slice3A_17 : vector<32x10240xf32>
    %slice3A_19 = vector.extract_strided_slice %mul3A_18 {offsets = [0, 0], sizes = [16, 10240], strides = [1, 1]} : vector<32x10240xf32> to vector<16x10240xf32>
    %slice3A_20 = vector.extract_strided_slice %mul3A_18 {offsets = [16, 0], sizes = [16, 10240], strides = [1, 1]} : vector<32x10240xf32> to vector<16x10240xf32>
    %mul3A_21 = arith.mulf %slice3A_19, %slice3A_20 : vector<16x10240xf32>
    %slice3A_22 = vector.extract_strided_slice %mul3A_21 {offsets = [0, 0], sizes = [8, 10240], strides = [1, 1]} : vector<16x10240xf32> to vector<8x10240xf32>
    %slice3A_23 = vector.extract_strided_slice %mul3A_21 {offsets = [8, 0], sizes = [8, 10240], strides = [1, 1]} : vector<16x10240xf32> to vector<8x10240xf32>
    %mul3A_24 = arith.mulf %slice3A_22, %slice3A_23 : vector<8x10240xf32>
    %slice3A_25 = vector.extract_strided_slice %mul3A_24 {offsets = [0, 0], sizes = [4, 10240], strides = [1, 1]} : vector<8x10240xf32> to vector<4x10240xf32>
    %slice3A_26 = vector.extract_strided_slice %mul3A_24 {offsets = [4, 0], sizes = [4, 10240], strides = [1, 1]} : vector<8x10240xf32> to vector<4x10240xf32>
    %mul3A_27 = arith.mulf %slice3A_25, %slice3A_26 : vector<4x10240xf32>
    %slice3A_28 = vector.extract_strided_slice %mul3A_27 {offsets = [0, 0], sizes = [2, 10240], strides = [1, 1]} : vector<4x10240xf32> to vector<2x10240xf32>
    %slice3A_29 = vector.extract_strided_slice %mul3A_27 {offsets = [2, 0], sizes = [2, 10240], strides = [1, 1]} : vector<4x10240xf32> to vector<2x10240xf32>
    %mul3A_30 = arith.mulf %slice3A_28, %slice3A_29 : vector<2x10240xf32>
    %slice3A_31 = vector.extract_strided_slice %mul3A_30 {offsets = [0, 0], sizes = [1, 10240], strides = [1, 1]} : vector<2x10240xf32> to vector<1x10240xf32>
    %slice3A_32 = vector.extract_strided_slice %mul3A_30 {offsets = [1, 0], sizes = [1, 10240], strides = [1, 1]} : vector<2x10240xf32> to vector<1x10240xf32>
    %mul3A_33 = arith.mulf %slice3A_31, %slice3A_32 : vector<1x10240xf32>
    %log3A = math.log %mul3A_33 : vector<1x10240xf32>
    %mul3A_34 = arith.constant 2.000000e+00 : f32
    %mul3A_35 = vector.broadcast %mul3A_34 : f32 to vector<1x10240xf32>
    %mul3A_36 = arith.mulf %mul3A_35, %log3A : vector<1x10240xf32>
    %slice3A_37 = vector.extract_strided_slice %broadcast_in_dim3A {offsets = [0, 0], sizes = [1, 128], strides = [1, 1]} : vector<1x10240xf32> to vector<1x128xf32>
    %slice3A_38 = vector.extract_strided_slice %broadcast_in_dim3A {offsets = [0, 128], sizes = [1, 128], strides = [1, 1]} : vector<1x10240xf32> to vector<1x128xf32>
    %slice3A_39 = vector.extract_strided_slice %broadcast_in_dim3A {offsets = [0, 256], sizes = [1, 128], strides = [1, 1]} : vector<1x10240xf32> to vector<1x128xf32>
    %slice3A_40 = vector.extract_strided_slice %broadcast_in_dim3A {offsets = [0, 384], sizes = [1, 128], strides = [1, 1]} : vector<1x10240xf32> to vector<1x128xf32>
    %slice3A_41 = vector.extract_strided_slice %broadcast_in_dim3A {offsets = [0, 512], sizes = [1, 128], strides = [1, 1]} : vector<1x10240xf32> to vector<1x128xf32>
    %slice3A_42 = vector.extract_strided_slice %broadcast_in_dim3A {offsets = [0, 640], sizes = [1, 128], strides = [1, 1]} : vector<1x10240xf32> to vector<1x128xf32>
    %slice3A_43 = vector.extract_strided_slice %broadcast_in_dim3A {offsets = [0, 768], sizes = [1, 128], strides = [1, 1]} : vector<1x10240xf32> to vector<1x128xf32>
    %slice3A_44 = vector.extract_strided_slice %broadcast_in_dim3A {offsets = [0, 896], sizes = [1, 128], strides = [1, 1]} : vector<1x10240xf32> to vector<1x128xf32>
    %slice3A_45 = vector.extract_strided_slice %broadcast_in_dim3A {offsets = [0, 1024], sizes = [1, 128], strides = [1, 1]} : vector<1x10240xf32> to vector<1x128xf32>
    %slice3A_46 = vector.extract_strided_slice %broadcast_in_dim3A {offsets = [0, 1152], sizes = [1, 128], strides = [1, 1]} : vector<1x10240xf32> to vector<1x128xf32>
    %slice3A_47 = vector.extract_strided_slice %broadcast_in_dim3A {offsets = [0, 1280], sizes = [1, 128], strides = [1, 1]} : vector<1x10240xf32> to vector<1x128xf32>
    %slice3A_48 = vector.extract_strided_slice %broadcast_in_dim3A {offsets = [0, 1408], sizes = [1, 128], strides = [1, 1]} : vector<1x10240xf32> to vector<1x128xf32>
    %slice3A_49 = vector.extract_strided_slice %broadcast_in_dim3A {offsets = [0, 1536], sizes = [1, 128], strides = [1, 1]} : vector<1x10240xf32> to vector<1x128xf32>
    %slice3A_50 = vector.extract_strided_slice %broadcast_in_dim3A {offsets = [0, 1664], sizes = [1, 128], strides = [1, 1]} : vector<1x10240xf32> to vector<1x128xf32>
    %slice3A_51 = vector.extract_strided_slice %broadcast_in_dim3A {offsets = [0, 1792], sizes = [1, 128], strides = [1, 1]} : vector<1x10240xf32> to vector<1x128xf32>
    %slice3A_52 = vector.extract_strided_slice %broadcast_in_dim3A {offsets = [0, 1920], sizes = [1, 128], strides = [1, 1]} : vector<1x10240xf32> to vector<1x128xf32>
    %slice3A_53 = vector.extract_strided_slice %broadcast_in_dim3A {offsets = [0, 2048], sizes = [1, 128], strides = [1, 1]} : vector<1x10240xf32> to vector<1x128xf32>
    %slice3A_54 = vector.extract_strided_slice %broadcast_in_dim3A {offsets = [0, 2176], sizes = [1, 128], strides = [1, 1]} : vector<1x10240xf32> to vector<1x128xf32>
    %slice3A_55 = vector.extract_strided_slice %broadcast_in_dim3A {offsets = [0, 2304], sizes = [1, 128], strides = [1, 1]} : vector<1x10240xf32> to vector<1x128xf32>
    %slice3A_56 = vector.extract_strided_slice %broadcast_in_dim3A {offsets = [0, 2432], sizes = [1, 128], strides = [1, 1]} : vector<1x10240xf32> to vector<1x128xf32>
    %slice3A_57 = vector.extract_strided_slice %broadcast_in_dim3A {offsets = [0, 2560], sizes = [1, 128], strides = [1, 1]} : vector<1x10240xf32> to vector<1x128xf32>
    %slice3A_58 = vector.extract_strided_slice %broadcast_in_dim3A {offsets = [0, 2688], sizes = [1, 128], strides = [1, 1]} : vector<1x10240xf32> to vector<1x128xf32>
    %slice3A_59 = vector.extract_strided_slice %broadcast_in_dim3A {offsets = [0, 2816], sizes = [1, 128], strides = [1, 1]} : vector<1x10240xf32> to vector<1x128xf32>
    %slice3A_60 = vector.extract_strided_slice %broadcast_in_dim3A {offsets = [0, 2944], sizes = [1, 128], strides = [1, 1]} : vector<1x10240xf32> to vector<1x128xf32>
    %slice3A_61 = vector.extract_strided_slice %broadcast_in_dim3A {offsets = [0, 3072], sizes = [1, 128], strides = [1, 1]} : vector<1x10240xf32> to vector<1x128xf32>
    %slice3A_62 = vector.extract_strided_slice %broadcast_in_dim3A {offsets = [0, 3200], sizes = [1, 128], strides = [1, 1]} : vector<1x10240xf32> to vector<1x128xf32>
    %slice3A_63 = vector.extract_strided_slice %broadcast_in_dim3A {offsets = [0, 3328], sizes = [1, 128], strides = [1, 1]} : vector<1x10240xf32> to vector<1x128xf32>
    %slice3A_64 = vector.extract_strided_slice %broadcast_in_dim3A {offsets = [0, 3456], sizes = [1, 128], strides = [1, 1]} : vector<1x10240xf32> to vector<1x128xf32>
    %slice3A_65 = vector.extract_strided_slice %broadcast_in_dim3A {offsets = [0, 3584], sizes = [1, 128], strides = [1, 1]} : vector<1x10240xf32> to vector<1x128xf32>
    %slice3A_66 = vector.extract_strided_slice %broadcast_in_dim3A {offsets = [0, 3712], sizes = [1, 128], strides = [1, 1]} : vector<1x10240xf32> to vector<1x128xf32>
    %slice3A_67 = vector.extract_strided_slice %broadcast_in_dim3A {offsets = [0, 3840], sizes = [1, 128], strides = [1, 1]} : vector<1x10240xf32> to vector<1x128xf32>
    %slice3A_68 = vector.extract_strided_slice %broadcast_in_dim3A {offsets = [0, 3968], sizes = [1, 128], strides = [1, 1]} : vector<1x10240xf32> to vector<1x128xf32>
    %slice3A_69 = vector.extract_strided_slice %broadcast_in_dim3A {offsets = [0, 4096], sizes = [1, 128], strides = [1, 1]} : vector<1x10240xf32> to vector<1x128xf32>
    %slice3A_70 = vector.extract_strided_slice %broadcast_in_dim3A {offsets = [0, 4224], sizes = [1, 128], strides = [1, 1]} : vector<1x10240xf32> to vector<1x128xf32>
    %slice3A_71 = vector.extract_strided_slice %broadcast_in_dim3A {offsets = [0, 4352], sizes = [1, 128], strides = [1, 1]} : vector<1x10240xf32> to vector<1x128xf32>
    %slice3A_72 = vector.extract_strided_slice %broadcast_in_dim3A {offsets = [0, 4480], sizes = [1, 128], strides = [1, 1]} : vector<1x10240xf32> to vector<1x128xf32>
    %slice3A_73 = vector.extract_strided_slice %broadcast_in_dim3A {offsets = [0, 4608], sizes = [1, 128], strides = [1, 1]} : vector<1x10240xf32> to vector<1x128xf32>
    %slice3A_74 = vector.extract_strided_slice %broadcast_in_dim3A {offsets = [0, 4736], sizes = [1, 128], strides = [1, 1]} : vector<1x10240xf32> to vector<1x128xf32>
    %slice3A_75 = vector.extract_strided_slice %broadcast_in_dim3A {offsets = [0, 4864], sizes = [1, 128], strides = [1, 1]} : vector<1x10240xf32> to vector<1x128xf32>
    %slice3A_76 = vector.extract_strided_slice %broadcast_in_dim3A {offsets = [0, 4992], sizes = [1, 128], strides = [1, 1]} : vector<1x10240xf32> to vector<1x128xf32>
    %slice3A_77 = vector.extract_strided_slice %broadcast_in_dim3A {offsets = [0, 5120], sizes = [1, 128], strides = [1, 1]} : vector<1x10240xf32> to vector<1x128xf32>
    %slice3A_78 = vector.extract_strided_slice %broadcast_in_dim3A {offsets = [0, 5248], sizes = [1, 128], strides = [1, 1]} : vector<1x10240xf32> to vector<1x128xf32>
    %slice3A_79 = vector.extract_strided_slice %broadcast_in_dim3A {offsets = [0, 5376], sizes = [1, 128], strides = [1, 1]} : vector<1x10240xf32> to vector<1x128xf32>
    %slice3A_80 = vector.extract_strided_slice %broadcast_in_dim3A {offsets = [0, 5504], sizes = [1, 128], strides = [1, 1]} : vector<1x10240xf32> to vector<1x128xf32>
    %slice3A_81 = vector.extract_strided_slice %broadcast_in_dim3A {offsets = [0, 5632], sizes = [1, 128], strides = [1, 1]} : vector<1x10240xf32> to vector<1x128xf32>
    %slice3A_82 = vector.extract_strided_slice %broadcast_in_dim3A {offsets = [0, 5760], sizes = [1, 128], strides = [1, 1]} : vector<1x10240xf32> to vector<1x128xf32>
    %slice3A_83 = vector.extract_strided_slice %broadcast_in_dim3A {offsets = [0, 5888], sizes = [1, 128], strides = [1, 1]} : vector<1x10240xf32> to vector<1x128xf32>
    %slice3A_84 = vector.extract_strided_slice %broadcast_in_dim3A {offsets = [0, 6016], sizes = [1, 128], strides = [1, 1]} : vector<1x10240xf32> to vector<1x128xf32>
    %slice3A_85 = vector.extract_strided_slice %broadcast_in_dim3A {offsets = [0, 6144], sizes = [1, 128], strides = [1, 1]} : vector<1x10240xf32> to vector<1x128xf32>
    %slice3A_86 = vector.extract_strided_slice %broadcast_in_dim3A {offsets = [0, 6272], sizes = [1, 128], strides = [1, 1]} : vector<1x10240xf32> to vector<1x128xf32>
    %slice3A_87 = vector.extract_strided_slice %broadcast_in_dim3A {offsets = [0, 6400], sizes = [1, 128], strides = [1, 1]} : vector<1x10240xf32> to vector<1x128xf32>
    %slice3A_88 = vector.extract_strided_slice %broadcast_in_dim3A {offsets = [0, 6528], sizes = [1, 128], strides = [1, 1]} : vector<1x10240xf32> to vector<1x128xf32>
    %slice3A_89 = vector.extract_strided_slice %broadcast_in_dim3A {offsets = [0, 6656], sizes = [1, 128], strides = [1, 1]} : vector<1x10240xf32> to vector<1x128xf32>
    %slice3A_90 = vector.extract_strided_slice %broadcast_in_dim3A {offsets = [0, 6784], sizes = [1, 128], strides = [1, 1]} : vector<1x10240xf32> to vector<1x128xf32>
    %slice3A_91 = vector.extract_strided_slice %broadcast_in_dim3A {offsets = [0, 6912], sizes = [1, 128], strides = [1, 1]} : vector<1x10240xf32> to vector<1x128xf32>
    %slice3A_92 = vector.extract_strided_slice %broadcast_in_dim3A {offsets = [0, 7040], sizes = [1, 128], strides = [1, 1]} : vector<1x10240xf32> to vector<1x128xf32>
    %slice3A_93 = vector.extract_strided_slice %broadcast_in_dim3A {offsets = [0, 7168], sizes = [1, 128], strides = [1, 1]} : vector<1x10240xf32> to vector<1x128xf32>
    %slice3A_94 = vector.extract_strided_slice %broadcast_in_dim3A {offsets = [0, 7296], sizes = [1, 128], strides = [1, 1]} : vector<1x10240xf32> to vector<1x128xf32>
    %slice3A_95 = vector.extract_strided_slice %broadcast_in_dim3A {offsets = [0, 7424], sizes = [1, 128], strides = [1, 1]} : vector<1x10240xf32> to vector<1x128xf32>
    %slice3A_96 = vector.extract_strided_slice %broadcast_in_dim3A {offsets = [0, 7552], sizes = [1, 128], strides = [1, 1]} : vector<1x10240xf32> to vector<1x128xf32>
    %slice3A_97 = vector.extract_strided_slice %broadcast_in_dim3A {offsets = [0, 7680], sizes = [1, 128], strides = [1, 1]} : vector<1x10240xf32> to vector<1x128xf32>
    %slice3A_98 = vector.extract_strided_slice %broadcast_in_dim3A {offsets = [0, 7808], sizes = [1, 128], strides = [1, 1]} : vector<1x10240xf32> to vector<1x128xf32>
    %slice3A_99 = vector.extract_strided_slice %broadcast_in_dim3A {offsets = [0, 7936], sizes = [1, 128], strides = [1, 1]} : vector<1x10240xf32> to vector<1x128xf32>
    %slice3A_100 = vector.extract_strided_slice %broadcast_in_dim3A {offsets = [0, 8064], sizes = [1, 128], strides = [1, 1]} : vector<1x10240xf32> to vector<1x128xf32>
    %slice3A_101 = vector.extract_strided_slice %broadcast_in_dim3A {offsets = [0, 8192], sizes = [1, 128], strides = [1, 1]} : vector<1x10240xf32> to vector<1x128xf32>
    %slice3A_102 = vector.extract_strided_slice %broadcast_in_dim3A {offsets = [0, 8320], sizes = [1, 128], strides = [1, 1]} : vector<1x10240xf32> to vector<1x128xf32>
    %slice3A_103 = vector.extract_strided_slice %broadcast_in_dim3A {offsets = [0, 8448], sizes = [1, 128], strides = [1, 1]} : vector<1x10240xf32> to vector<1x128xf32>
    %slice3A_104 = vector.extract_strided_slice %broadcast_in_dim3A {offsets = [0, 8576], sizes = [1, 128], strides = [1, 1]} : vector<1x10240xf32> to vector<1x128xf32>
    %slice3A_105 = vector.extract_strided_slice %broadcast_in_dim3A {offsets = [0, 8704], sizes = [1, 128], strides = [1, 1]} : vector<1x10240xf32> to vector<1x128xf32>
    %slice3A_106 = vector.extract_strided_slice %broadcast_in_dim3A {offsets = [0, 8832], sizes = [1, 128], strides = [1, 1]} : vector<1x10240xf32> to vector<1x128xf32>
    %slice3A_107 = vector.extract_strided_slice %broadcast_in_dim3A {offsets = [0, 8960], sizes = [1, 128], strides = [1, 1]} : vector<1x10240xf32> to vector<1x128xf32>
    %slice3A_108 = vector.extract_strided_slice %broadcast_in_dim3A {offsets = [0, 9088], sizes = [1, 128], strides = [1, 1]} : vector<1x10240xf32> to vector<1x128xf32>
    %slice3A_109 = vector.extract_strided_slice %broadcast_in_dim3A {offsets = [0, 9216], sizes = [1, 128], strides = [1, 1]} : vector<1x10240xf32> to vector<1x128xf32>
    %slice3A_110 = vector.extract_strided_slice %broadcast_in_dim3A {offsets = [0, 9344], sizes = [1, 128], strides = [1, 1]} : vector<1x10240xf32> to vector<1x128xf32>
    %slice3A_111 = vector.extract_strided_slice %broadcast_in_dim3A {offsets = [0, 9472], sizes = [1, 128], strides = [1, 1]} : vector<1x10240xf32> to vector<1x128xf32>
    %slice3A_112 = vector.extract_strided_slice %broadcast_in_dim3A {offsets = [0, 9600], sizes = [1, 128], strides = [1, 1]} : vector<1x10240xf32> to vector<1x128xf32>
    %slice3A_113 = vector.extract_strided_slice %broadcast_in_dim3A {offsets = [0, 9728], sizes = [1, 128], strides = [1, 1]} : vector<1x10240xf32> to vector<1x128xf32>
    %slice3A_114 = vector.extract_strided_slice %broadcast_in_dim3A {offsets = [0, 9856], sizes = [1, 128], strides = [1, 1]} : vector<1x10240xf32> to vector<1x128xf32>
    %slice3A_115 = vector.extract_strided_slice %broadcast_in_dim3A {offsets = [0, 9984], sizes = [1, 128], strides = [1, 1]} : vector<1x10240xf32> to vector<1x128xf32>
    %slice3A_116 = vector.extract_strided_slice %broadcast_in_dim3A {offsets = [0, 10112], sizes = [1, 128], strides = [1, 1]} : vector<1x10240xf32> to vector<1x128xf32>
    %concatenate3A = tpu.concatenate %slice3A_37, %slice3A_38, %slice3A_39, %slice3A_40, %slice3A_41, %slice3A_42, %slice3A_43, %slice3A_44, %slice3A_45, %slice3A_46, %slice3A_47, %slice3A_48, %slice3A_49, %slice3A_50, %slice3A_51, %slice3A_52, %slice3A_53, %slice3A_54, %slice3A_55, %slice3A_56, %slice3A_57, %slice3A_58, %slice3A_59, %slice3A_60, %slice3A_61, %slice3A_62, %slice3A_63, %slice3A_64, %slice3A_65, %slice3A_66, %slice3A_67, %slice3A_68, %slice3A_69, %slice3A_70, %slice3A_71, %slice3A_72, %slice3A_73, %slice3A_74, %slice3A_75, %slice3A_76, %slice3A_77, %slice3A_78, %slice3A_79, %slice3A_80, %slice3A_81, %slice3A_82, %slice3A_83, %slice3A_84, %slice3A_85, %slice3A_86, %slice3A_87, %slice3A_88, %slice3A_89, %slice3A_90, %slice3A_91, %slice3A_92, %slice3A_93, %slice3A_94, %slice3A_95, %slice3A_96, %slice3A_97, %slice3A_98, %slice3A_99, %slice3A_100, %slice3A_101, %slice3A_102, %slice3A_103, %slice3A_104, %slice3A_105, %slice3A_106, %slice3A_107, %slice3A_108, %slice3A_109, %slice3A_110, %slice3A_111, %slice3A_112, %slice3A_113, %slice3A_114, %slice3A_115, %slice3A_116 in 0 : vector<1x128xf32>, vector<1x128xf32>, vector<1x128xf32>, vector<1x128xf32>, vector<1x128xf32>, vector<1x128xf32>, vector<1x128xf32>, vector<1x128xf32>, vector<1x128xf32>, vector<1x128xf32>, vector<1x128xf32>, vector<1x128xf32>, vector<1x128xf32>, vector<1x128xf32>, vector<1x128xf32>, vector<1x128xf32>, vector<1x128xf32>, vector<1x128xf32>, vector<1x128xf32>, vector<1x128xf32>, vector<1x128xf32>, vector<1x128xf32>, vector<1x128xf32>, vector<1x128xf32>, vector<1x128xf32>, vector<1x128xf32>, vector<1x128xf32>, vector<1x128xf32>, vector<1x128xf32>, vector<1x128xf32>, vector<1x128xf32>, vector<1x128xf32>, vector<1x128xf32>, vector<1x128xf32>, vector<1x128xf32>, vector<1x128xf32>, vector<1x128xf32>, vector<1x128xf32>, vector<1x128xf32>, vector<1x128xf32>, vector<1x128xf32>, vector<1x128xf32>, vector<1x128xf32>, vector<1x128xf32>, vector<1x128xf32>, vector<1x128xf32>, vector<1x128xf32>, vector<1x128xf32>, vector<1x128xf32>, vector<1x128xf32>, vector<1x128xf32>, vector<1x128xf32>, vector<1x128xf32>, vector<1x128xf32>, vector<1x128xf32>, vector<1x128xf32>, vector<1x128xf32>, vector<1x128xf32>, vector<1x128xf32>, vector<1x128xf32>, vector<1x128xf32>, vector<1x128xf32>, vector<1x128xf32>, vector<1x128xf32>, vector<1x128xf32>, vector<1x128xf32>, vector<1x128xf32>, vector<1x128xf32>, vector<1x128xf32>, vector<1x128xf32>, vector<1x128xf32>, vector<1x128xf32>, vector<1x128xf32>, vector<1x128xf32>, vector<1x128xf32>, vector<1x128xf32>, vector<1x128xf32>, vector<1x128xf32>, vector<1x128xf32>, vector<1x128xf32> -> vector<80x128xf32>
    %swap3A = arith.constant 0 : index
    %swap3A_117 = arith.constant 0 : index
    %swap3A_118 = vector.load %arg11[%swap3A, %swap3A_117] : memref<80x128xf32, #tpu.memory_space<vmem>>, vector<80x128xf32>
    tpu.vector_store %arg11[%swap3A, %swap3A_117], %concatenate3A {strides = array<i32>} : memref<80x128xf32, #tpu.memory_space<vmem>>, vector<80x128xf32>,
    %slice3A_119 = vector.extract_strided_slice %mul3A_36 {offsets = [0, 0], sizes = [1, 128], strides = [1, 1]} : vector<1x10240xf32> to vector<1x128xf32>
    %slice3A_120 = vector.extract_strided_slice %mul3A_36 {offsets = [0, 128], sizes = [1, 128], strides = [1, 1]} : vector<1x10240xf32> to vector<1x128xf32>
    %slice3A_121 = vector.extract_strided_slice %mul3A_36 {offsets = [0, 256], sizes = [1, 128], strides = [1, 1]} : vector<1x10240xf32> to vector<1x128xf32>
    %slice3A_122 = vector.extract_strided_slice %mul3A_36 {offsets = [0, 384], sizes = [1, 128], strides = [1, 1]} : vector<1x10240xf32> to vector<1x128xf32>
    %slice3A_123 = vector.extract_strided_slice %mul3A_36 {offsets = [0, 512], sizes = [1, 128], strides = [1, 1]} : vector<1x10240xf32> to vector<1x128xf32>
    %slice3A_124 = vector.extract_strided_slice %mul3A_36 {offsets = [0, 640], sizes = [1, 128], strides = [1, 1]} : vector<1x10240xf32> to vector<1x128xf32>
    %slice3A_125 = vector.extract_strided_slice %mul3A_36 {offsets = [0, 768], sizes = [1, 128], strides = [1, 1]} : vector<1x10240xf32> to vector<1x128xf32>
    %slice3A_126 = vector.extract_strided_slice %mul3A_36 {offsets = [0, 896], sizes = [1, 128], strides = [1, 1]} : vector<1x10240xf32> to vector<1x128xf32>
    %slice3A_127 = vector.extract_strided_slice %mul3A_36 {offsets = [0, 1024], sizes = [1, 128], strides = [1, 1]} : vector<1x10240xf32> to vector<1x128xf32>
    %slice3A_128 = vector.extract_strided_slice %mul3A_36 {offsets = [0, 1152], sizes = [1, 128], strides = [1, 1]} : vector<1x10240xf32> to vector<1x128xf32>
    %slice3A_129 = vector.extract_strided_slice %mul3A_36 {offsets = [0, 1280], sizes = [1, 128], strides = [1, 1]} : vector<1x10240xf32> to vector<1x128xf32>
    %slice3A_130 = vector.extract_strided_slice %mul3A_36 {offsets = [0, 1408], sizes = [1, 128], strides = [1, 1]} : vector<1x10240xf32> to vector<1x128xf32>
    %slice3A_131 = vector.extract_strided_slice %mul3A_36 {offsets = [0, 1536], sizes = [1, 128], strides = [1, 1]} : vector<1x10240xf32> to vector<1x128xf32>
    %slice3A_132 = vector.extract_strided_slice %mul3A_36 {offsets = [0, 1664], sizes = [1, 128], strides = [1, 1]} : vector<1x10240xf32> to vector<1x128xf32>
    %slice3A_133 = vector.extract_strided_slice %mul3A_36 {offsets = [0, 1792], sizes = [1, 128], strides = [1, 1]} : vector<1x10240xf32> to vector<1x128xf32>
    %slice3A_134 = vector.extract_strided_slice %mul3A_36 {offsets = [0, 1920], sizes = [1, 128], strides = [1, 1]} : vector<1x10240xf32> to vector<1x128xf32>
    %slice3A_135 = vector.extract_strided_slice %mul3A_36 {offsets = [0, 2048], sizes = [1, 128], strides = [1, 1]} : vector<1x10240xf32> to vector<1x128xf32>
    %slice3A_136 = vector.extract_strided_slice %mul3A_36 {offsets = [0, 2176], sizes = [1, 128], strides = [1, 1]} : vector<1x10240xf32> to vector<1x128xf32>
    %slice3A_137 = vector.extract_strided_slice %mul3A_36 {offsets = [0, 2304], sizes = [1, 128], strides = [1, 1]} : vector<1x10240xf32> to vector<1x128xf32>
    %slice3A_138 = vector.extract_strided_slice %mul3A_36 {offsets = [0, 2432], sizes = [1, 128], strides = [1, 1]} : vector<1x10240xf32> to vector<1x128xf32>
    %slice3A_139 = vector.extract_strided_slice %mul3A_36 {offsets = [0, 2560], sizes = [1, 128], strides = [1, 1]} : vector<1x10240xf32> to vector<1x128xf32>
    %slice3A_140 = vector.extract_strided_slice %mul3A_36 {offsets = [0, 2688], sizes = [1, 128], strides = [1, 1]} : vector<1x10240xf32> to vector<1x128xf32>
    %slice3A_141 = vector.extract_strided_slice %mul3A_36 {offsets = [0, 2816], sizes = [1, 128], strides = [1, 1]} : vector<1x10240xf32> to vector<1x128xf32>
    %slice3A_142 = vector.extract_strided_slice %mul3A_36 {offsets = [0, 2944], sizes = [1, 128], strides = [1, 1]} : vector<1x10240xf32> to vector<1x128xf32>
    %slice3A_143 = vector.extract_strided_slice %mul3A_36 {offsets = [0, 3072], sizes = [1, 128], strides = [1, 1]} : vector<1x10240xf32> to vector<1x128xf32>
    %slice3A_144 = vector.extract_strided_slice %mul3A_36 {offsets = [0, 3200], sizes = [1, 128], strides = [1, 1]} : vector<1x10240xf32> to vector<1x128xf32>
    %slice3A_145 = vector.extract_strided_slice %mul3A_36 {offsets = [0, 3328], sizes = [1, 128], strides = [1, 1]} : vector<1x10240xf32> to vector<1x128xf32>
    %slice3A_146 = vector.extract_strided_slice %mul3A_36 {offsets = [0, 3456], sizes = [1, 128], strides = [1, 1]} : vector<1x10240xf32> to vector<1x128xf32>
    %slice3A_147 = vector.extract_strided_slice %mul3A_36 {offsets = [0, 3584], sizes = [1, 128], strides = [1, 1]} : vector<1x10240xf32> to vector<1x128xf32>
    %slice3A_148 = vector.extract_strided_slice %mul3A_36 {offsets = [0, 3712], sizes = [1, 128], strides = [1, 1]} : vector<1x10240xf32> to vector<1x128xf32>
    %slice3A_149 = vector.extract_strided_slice %mul3A_36 {offsets = [0, 3840], sizes = [1, 128], strides = [1, 1]} : vector<1x10240xf32> to vector<1x128xf32>
    %slice3A_150 = vector.extract_strided_slice %mul3A_36 {offsets = [0, 3968], sizes = [1, 128], strides = [1, 1]} : vector<1x10240xf32> to vector<1x128xf32>
    %slice3A_151 = vector.extract_strided_slice %mul3A_36 {offsets = [0, 4096], sizes = [1, 128], strides = [1, 1]} : vector<1x10240xf32> to vector<1x128xf32>
    %slice3A_152 = vector.extract_strided_slice %mul3A_36 {offsets = [0, 4224], sizes = [1, 128], strides = [1, 1]} : vector<1x10240xf32> to vector<1x128xf32>
    %slice3A_153 = vector.extract_strided_slice %mul3A_36 {offsets = [0, 4352], sizes = [1, 128], strides = [1, 1]} : vector<1x10240xf32> to vector<1x128xf32>
    %slice3A_154 = vector.extract_strided_slice %mul3A_36 {offsets = [0, 4480], sizes = [1, 128], strides = [1, 1]} : vector<1x10240xf32> to vector<1x128xf32>
    %slice3A_155 = vector.extract_strided_slice %mul3A_36 {offsets = [0, 4608], sizes = [1, 128], strides = [1, 1]} : vector<1x10240xf32> to vector<1x128xf32>
    %slice3A_156 = vector.extract_strided_slice %mul3A_36 {offsets = [0, 4736], sizes = [1, 128], strides = [1, 1]} : vector<1x10240xf32> to vector<1x128xf32>
    %slice3A_157 = vector.extract_strided_slice %mul3A_36 {offsets = [0, 4864], sizes = [1, 128], strides = [1, 1]} : vector<1x10240xf32> to vector<1x128xf32>
    %slice3A_158 = vector.extract_strided_slice %mul3A_36 {offsets = [0, 4992], sizes = [1, 128], strides = [1, 1]} : vector<1x10240xf32> to vector<1x128xf32>
    %slice3A_159 = vector.extract_strided_slice %mul3A_36 {offsets = [0, 5120], sizes = [1, 128], strides = [1, 1]} : vector<1x10240xf32> to vector<1x128xf32>
    %slice3A_160 = vector.extract_strided_slice %mul3A_36 {offsets = [0, 5248], sizes = [1, 128], strides = [1, 1]} : vector<1x10240xf32> to vector<1x128xf32>
    %slice3A_161 = vector.extract_strided_slice %mul3A_36 {offsets = [0, 5376], sizes = [1, 128], strides = [1, 1]} : vector<1x10240xf32> to vector<1x128xf32>
    %slice3A_162 = vector.extract_strided_slice %mul3A_36 {offsets = [0, 5504], sizes = [1, 128], strides = [1, 1]} : vector<1x10240xf32> to vector<1x128xf32>
    %slice3A_163 = vector.extract_strided_slice %mul3A_36 {offsets = [0, 5632], sizes = [1, 128], strides = [1, 1]} : vector<1x10240xf32> to vector<1x128xf32>
    %slice3A_164 = vector.extract_strided_slice %mul3A_36 {offsets = [0, 5760], sizes = [1, 128], strides = [1, 1]} : vector<1x10240xf32> to vector<1x128xf32>
    %slice3A_165 = vector.extract_strided_slice %mul3A_36 {offsets = [0, 5888], sizes = [1, 128], strides = [1, 1]} : vector<1x10240xf32> to vector<1x128xf32>
    %slice3A_166 = vector.extract_strided_slice %mul3A_36 {offsets = [0, 6016], sizes = [1, 128], strides = [1, 1]} : vector<1x10240xf32> to vector<1x128xf32>
    %slice3A_167 = vector.extract_strided_slice %mul3A_36 {offsets = [0, 6144], sizes = [1, 128], strides = [1, 1]} : vector<1x10240xf32> to vector<1x128xf32>
    %slice3A_168 = vector.extract_strided_slice %mul3A_36 {offsets = [0, 6272], sizes = [1, 128], strides = [1, 1]} : vector<1x10240xf32> to vector<1x128xf32>
    %slice3A_169 = vector.extract_strided_slice %mul3A_36 {offsets = [0, 6400], sizes = [1, 128], strides = [1, 1]} : vector<1x10240xf32> to vector<1x128xf32>
    %slice3A_170 = vector.extract_strided_slice %mul3A_36 {offsets = [0, 6528], sizes = [1, 128], strides = [1, 1]} : vector<1x10240xf32> to vector<1x128xf32>
    %slice3A_171 = vector.extract_strided_slice %mul3A_36 {offsets = [0, 6656], sizes = [1, 128], strides = [1, 1]} : vector<1x10240xf32> to vector<1x128xf32>
    %slice3A_172 = vector.extract_strided_slice %mul3A_36 {offsets = [0, 6784], sizes = [1, 128], strides = [1, 1]} : vector<1x10240xf32> to vector<1x128xf32>
    %slice3A_173 = vector.extract_strided_slice %mul3A_36 {offsets = [0, 6912], sizes = [1, 128], strides = [1, 1]} : vector<1x10240xf32> to vector<1x128xf32>
    %slice3A_174 = vector.extract_strided_slice %mul3A_36 {offsets = [0, 7040], sizes = [1, 128], strides = [1, 1]} : vector<1x10240xf32> to vector<1x128xf32>
    %slice3A_175 = vector.extract_strided_slice %mul3A_36 {offsets = [0, 7168], sizes = [1, 128], strides = [1, 1]} : vector<1x10240xf32> to vector<1x128xf32>
    %slice3A_176 = vector.extract_strided_slice %mul3A_36 {offsets = [0, 7296], sizes = [1, 128], strides = [1, 1]} : vector<1x10240xf32> to vector<1x128xf32>
    %slice3A_177 = vector.extract_strided_slice %mul3A_36 {offsets = [0, 7424], sizes = [1, 128], strides = [1, 1]} : vector<1x10240xf32> to vector<1x128xf32>
    %slice3A_178 = vector.extract_strided_slice %mul3A_36 {offsets = [0, 7552], sizes = [1, 128], strides = [1, 1]} : vector<1x10240xf32> to vector<1x128xf32>
    %slice3A_179 = vector.extract_strided_slice %mul3A_36 {offsets = [0, 7680], sizes = [1, 128], strides = [1, 1]} : vector<1x10240xf32> to vector<1x128xf32>
    %slice3A_180 = vector.extract_strided_slice %mul3A_36 {offsets = [0, 7808], sizes = [1, 128], strides = [1, 1]} : vector<1x10240xf32> to vector<1x128xf32>
    %slice3A_181 = vector.extract_strided_slice %mul3A_36 {offsets = [0, 7936], sizes = [1, 128], strides = [1, 1]} : vector<1x10240xf32> to vector<1x128xf32>
    %slice3A_182 = vector.extract_strided_slice %mul3A_36 {offsets = [0, 8064], sizes = [1, 128], strides = [1, 1]} : vector<1x10240xf32> to vector<1x128xf32>
    %slice3A_183 = vector.extract_strided_slice %mul3A_36 {offsets = [0, 8192], sizes = [1, 128], strides = [1, 1]} : vector<1x10240xf32> to vector<1x128xf32>
    %slice3A_184 = vector.extract_strided_slice %mul3A_36 {offsets = [0, 8320], sizes = [1, 128], strides = [1, 1]} : vector<1x10240xf32> to vector<1x128xf32>
    %slice3A_185 = vector.extract_strided_slice %mul3A_36 {offsets = [0, 8448], sizes = [1, 128], strides = [1, 1]} : vector<1x10240xf32> to vector<1x128xf32>
    %slice3A_186 = vector.extract_strided_slice %mul3A_36 {offsets = [0, 8576], sizes = [1, 128], strides = [1, 1]} : vector<1x10240xf32> to vector<1x128xf32>
    %slice3A_187 = vector.extract_strided_slice %mul3A_36 {offsets = [0, 8704], sizes = [1, 128], strides = [1, 1]} : vector<1x10240xf32> to vector<1x128xf32>
    %slice3A_188 = vector.extract_strided_slice %mul3A_36 {offsets = [0, 8832], sizes = [1, 128], strides = [1, 1]} : vector<1x10240xf32> to vector<1x128xf32>
    %slice3A_189 = vector.extract_strided_slice %mul3A_36 {offsets = [0, 8960], sizes = [1, 128], strides = [1, 1]} : vector<1x10240xf32> to vector<1x128xf32>
    %slice3A_190 = vector.extract_strided_slice %mul3A_36 {offsets = [0, 9088], sizes = [1, 128], strides = [1, 1]} : vector<1x10240xf32> to vector<1x128xf32>
    %slice3A_191 = vector.extract_strided_slice %mul3A_36 {offsets = [0, 9216], sizes = [1, 128], strides = [1, 1]} : vector<1x10240xf32> to vector<1x128xf32>
    %slice3A_192 = vector.extract_strided_slice %mul3A_36 {offsets = [0, 9344], sizes = [1, 128], strides = [1, 1]} : vector<1x10240xf32> to vector<1x128xf32>
    %slice3A_193 = vector.extract_strided_slice %mul3A_36 {offsets = [0, 9472], sizes = [1, 128], strides = [1, 1]} : vector<1x10240xf32> to vector<1x128xf32>
    %slice3A_194 = vector.extract_strided_slice %mul3A_36 {offsets = [0, 9600], sizes = [1, 128], strides = [1, 1]} : vector<1x10240xf32> to vector<1x128xf32>
    %slice3A_195 = vector.extract_strided_slice %mul3A_36 {offsets = [0, 9728], sizes = [1, 128], strides = [1, 1]} : vector<1x10240xf32> to vector<1x128xf32>
    %slice3A_196 = vector.extract_strided_slice %mul3A_36 {offsets = [0, 9856], sizes = [1, 128], strides = [1, 1]} : vector<1x10240xf32> to vector<1x128xf32>
    %slice3A_197 = vector.extract_strided_slice %mul3A_36 {offsets = [0, 9984], sizes = [1, 128], strides = [1, 1]} : vector<1x10240xf32> to vector<1x128xf32>
    %slice3A_198 = vector.extract_strided_slice %mul3A_36 {offsets = [0, 10112], sizes = [1, 128], strides = [1, 1]} : vector<1x10240xf32> to vector<1x128xf32>
    %concatenate3A_199 = tpu.concatenate %slice3A_119, %slice3A_120, %slice3A_121, %slice3A_122, %slice3A_123, %slice3A_124, %slice3A_125, %slice3A_126, %slice3A_127, %slice3A_128, %slice3A_129, %slice3A_130, %slice3A_131, %slice3A_132, %slice3A_133, %slice3A_134, %slice3A_135, %slice3A_136, %slice3A_137, %slice3A_138, %slice3A_139, %slice3A_140, %slice3A_141, %slice3A_142, %slice3A_143, %slice3A_144, %slice3A_145, %slice3A_146, %slice3A_147, %slice3A_148, %slice3A_149, %slice3A_150, %slice3A_151, %slice3A_152, %slice3A_153, %slice3A_154, %slice3A_155, %slice3A_156, %slice3A_157, %slice3A_158, %slice3A_159, %slice3A_160, %slice3A_161, %slice3A_162, %slice3A_163, %slice3A_164, %slice3A_165, %slice3A_166, %slice3A_167, %slice3A_168, %slice3A_169, %slice3A_170, %slice3A_171, %slice3A_172, %slice3A_173, %slice3A_174, %slice3A_175, %slice3A_176, %slice3A_177, %slice3A_178, %slice3A_179, %slice3A_180, %slice3A_181, %slice3A_182, %slice3A_183, %slice3A_184, %slice3A_185, %slice3A_186, %slice3A_187, %slice3A_188, %slice3A_189, %slice3A_190, %slice3A_191, %slice3A_192, %slice3A_193, %slice3A_194, %slice3A_195, %slice3A_196, %slice3A_197, %slice3A_198 in 0 : vector<1x128xf32>, vector<1x128xf32>, vector<1x128xf32>, vector<1x128xf32>, vector<1x128xf32>, vector<1x128xf32>, vector<1x128xf32>, vector<1x128xf32>, vector<1x128xf32>, vector<1x128xf32>, vector<1x128xf32>, vector<1x128xf32>, vector<1x128xf32>, vector<1x128xf32>, vector<1x128xf32>, vector<1x128xf32>, vector<1x128xf32>, vector<1x128xf32>, vector<1x128xf32>, vector<1x128xf32>, vector<1x128xf32>, vector<1x128xf32>, vector<1x128xf32>, vector<1x128xf32>, vector<1x128xf32>, vector<1x128xf32>, vector<1x128xf32>, vector<1x128xf32>, vector<1x128xf32>, vector<1x128xf32>, vector<1x128xf32>, vector<1x128xf32>, vector<1x128xf32>, vector<1x128xf32>, vector<1x128xf32>, vector<1x128xf32>, vector<1x128xf32>, vector<1x128xf32>, vector<1x128xf32>, vector<1x128xf32>, vector<1x128xf32>, vector<1x128xf32>, vector<1x128xf32>, vector<1x128xf32>, vector<1x128xf32>, vector<1x128xf32>, vector<1x128xf32>, vector<1x128xf32>, vector<1x128xf32>, vector<1x128xf32>, vector<1x128xf32>, vector<1x128xf32>, vector<1x128xf32>, vector<1x128xf32>, vector<1x128xf32>, vector<1x128xf32>, vector<1x128xf32>, vector<1x128xf32>, vector<1x128xf32>, vector<1x128xf32>, vector<1x128xf32>, vector<1x128xf32>, vector<1x128xf32>, vector<1x128xf32>, vector<1x128xf32>, vector<1x128xf32>, vector<1x128xf32>, vector<1x128xf32>, vector<1x128xf32>, vector<1x128xf32>, vector<1x128xf32>, vector<1x128xf32>, vector<1x128xf32>, vector<1x128xf32>, vector<1x128xf32>, vector<1x128xf32>, vector<1x128xf32>, vector<1x128xf32>, vector<1x128xf32>, vector<1x128xf32> -> vector<80x128xf32>
    %swap3A_200 = arith.constant 0 : index
    %swap3A_201 = arith.constant 0 : index
    %swap3A_202 = vector.load %arg12[%swap3A_200, %swap3A_201] : memref<80x128xf32, #tpu.memory_space<vmem>>, vector<80x128xf32>
    tpu.vector_store %arg12[%swap3A_200, %swap3A_201], %concatenate3A_199 {strides = array<i32>} : memref<80x128xf32, #tpu.memory_space<vmem>>, vector<80x128xf32>,
    return
  }
  func.func @transform_0(%arg0: i32) -> i32 {
    %c0_i32 = arith.constant 0 : i32
    %c0_i32_0 = arith.constant 0 : i32
    return %c0_i32 : i32
  }
  func.func @transform_2(%arg0: i32) -> (i32, i32) {
    %min3A = arith.constant 9 : i32
    %min3A_0 = arith.minsi %arg0, %min3A : i32
    %c0_i32 = arith.constant 0 : i32
    %c0_i32_1 = arith.constant 0 : i32
    return %c0_i32, %min3A_0 : i32, i32
  }
  func.func @transform_3(%arg0: i32) -> (i32, i32) {
    %min3A = arith.constant 9 : i32
    %min3A_0 = arith.minsi %arg0, %min3A : i32
    %c0_i32 = arith.constant 0 : i32
    %c0_i32_1 = arith.constant 0 : i32
    return %c0_i32, %min3A_0 : i32, i32
  }
  func.func @transform_4(%arg0: i32) -> (i32, i32) {
    %c0_i32 = arith.constant 0 : i32
    %c0_i32_0 = arith.constant 0 : i32
    %c0_i32_1 = arith.constant 0 : i32
    return %c0_i32, %c0_i32_0 : i32, i32
  }
  func.func @transform_5(%arg0: i32) -> (i32, i32) {
    %c0_i32 = arith.constant 0 : i32
    %c0_i32_0 = arith.constant 0 : i32
    %c0_i32_1 = arith.constant 0 : i32
    return %c0_i32, %c0_i32_0 : i32, i32
  }
  func.func @transform_6(%arg0: i32) -> (i32, i32) {
    %c0_i32 = arith.constant 0 : i32
    %c0_i32_0 = arith.constant 0 : i32
    %c0_i32_1 = arith.constant 0 : i32
    return %c0_i32, %c0_i32_0 : i32, i32
  }
  func.func @transform_7(%arg0: i32) -> (i32, i32) {
    %c0_i32 = arith.constant 0 : i32
    %c0_i32_0 = arith.constant 0 : i32
    %c0_i32_1 = arith.constant 0 : i32
    return %c0_i32, %c0_i32_0 : i32, i32
  }
  func.func @transform_8(%arg0: i32) -> (i32, i32) {
    %c0_i32 = arith.constant 0 : i32
    %c0_i32_0 = arith.constant 0 : i32
    %c0_i32_1 = arith.constant 0 : i32
    return %c0_i32, %c0_i32_0 : i32, i32
  }
  func.func @transform_9(%arg0: i32) -> (i32, i32) {
    %c0_i32 = arith.constant 0 : i32
    %c0_i32_0 = arith.constant 0 : i32
    %c0_i32_1 = arith.constant 0 : i32
    return %c0_i32, %c0_i32_0 : i32, i32
  }
  func.func @transform_10(%arg0: i32) -> (i32, i32) {
    %c0_i32 = arith.constant 0 : i32
    %c0_i32_0 = arith.constant 0 : i32
    return %arg0, %c0_i32 : i32, i32
  }
  func.func @transform_11(%arg0: i32) -> (i32, i32) {
    %c0_i32 = arith.constant 0 : i32
    %c0_i32_0 = arith.constant 0 : i32
    return %arg0, %c0_i32 : i32, i32
  }
  func.func @transform_12(%arg0: i32) -> (i32, i32) {
    %c0_i32 = arith.constant 0 : i32
    %c0_i32_0 = arith.constant 0 : i32
    %c0_i32_1 = arith.constant 0 : i32
    return %c0_i32, %c0_i32_0 : i32, i32
  }
}

module attributes {stable_mosaic.version = 14 : i64} {
  func.func @_hinge_body(%arg0: memref<1024x128xf32, #tpu.memory_space<vmem>>, %arg1: memref<1024x128xf32, #tpu.memory_space<vmem>>, %arg2: memref<1024x1xi32, #tpu.memory_space<vmem>>, %arg3: memref<64x8xf32, #tpu.memory_space<vmem>>, %arg4: memref<1x1xf32, #tpu.memory_space<vmem>>) attributes {dimension_semantics = [], scalar_prefetch = 0 : i64, scratch_operands = 0 : i64, tpu.core_type = #tpu.core_type<tc>} {
    %get3A = arith.constant 0 : index
    %get3A_0 = arith.constant 2 : index
    %get3A_1 = vector.load %arg3[%get3A, %get3A_0] : memref<64x8xf32, #tpu.memory_space<vmem>>, vector<1x1xf32>
    %iota3A = tpu.iota {dimensions = array<i32: 1>} : vector<1024x128xi32>
    %get3A_2 = arith.constant 0 : index
    %get3A_3 = arith.constant 0 : index
    %get3A_4 = vector.load %arg2[%get3A_2, %get3A_3] : memref<1024x1xi32, #tpu.memory_space<vmem>>, vector<1024x1xi32>
    %eq3A = vector.broadcast %get3A_4 : vector<1024x1xi32> to vector<1024x128xi32>
    %eq3A_5 = arith.cmpi eq, %iota3A, %eq3A : vector<1024x128xi32>
    %jit3A = arith.constant 1.000000e+00 : f32
    %jit3A_6 = arith.constant 0.000000e+00 : f32
    %broadcast_in_dim3A = vector.broadcast %jit3A : f32 to vector<1024x128xf32>
    %broadcast_in_dim3A_7 = vector.broadcast %jit3A_6 : f32 to vector<1024x128xf32>
    %select_n3A = arith.select %eq3A_5, %broadcast_in_dim3A, %broadcast_in_dim3A_7 : vector<1024x128xi1>, vector<1024x128xf32>
    %get3A_8 = arith.constant 0 : index
    %get3A_9 = arith.constant 0 : index
    %get3A_10 = vector.load %arg0[%get3A_8, %get3A_9] : memref<1024x128xf32, #tpu.memory_space<vmem>>, vector<1024x128xf32>
    %mul3A = arith.mulf %get3A_10, %select_n3A : vector<1024x128xf32>
    %reduce_sum3A = arith.constant dense<0.000000e+00> : vector<1024xf32>
    %reduce_sum3A_11 = vector.multi_reduction <add>, %mul3A, %reduce_sum3A [1] : vector<1024x128xf32> to vector<1024xf32>
    %broadcast_in_dim3A_12 = vector.shape_cast %reduce_sum3A_11 : vector<1024xf32> to vector<1024x1xf32>
    %get3A_13 = arith.constant 0 : index
    %get3A_14 = arith.constant 0 : index
    %get3A_15 = vector.load %arg1[%get3A_13, %get3A_14] : memref<1024x128xf32, #tpu.memory_space<vmem>>, vector<1024x128xf32>
    %mul3A_16 = arith.mulf %get3A_15, %select_n3A : vector<1024x128xf32>
    %reduce_sum3A_17 = arith.constant dense<0.000000e+00> : vector<1024xf32>
    %reduce_sum3A_18 = vector.multi_reduction <add>, %mul3A_16, %reduce_sum3A_17 [1] : vector<1024x128xf32> to vector<1024xf32>
    %broadcast_in_dim3A_19 = vector.shape_cast %reduce_sum3A_18 : vector<1024xf32> to vector<1024x1xf32>
    %add3A = arith.addf %broadcast_in_dim3A_12, %broadcast_in_dim3A_19 : vector<1024x1xf32>
    %sub3A = arith.constant 6.400000e+01 : f32
    %sub3A_20 = vector.broadcast %sub3A : f32 to vector<1024x1xf32>
    %sub3A_21 = arith.subf %add3A, %sub3A_20 : vector<1024x1xf32>
    %sub3A_22 = vector.broadcast %get3A_1 : vector<1x1xf32> to vector<1024x1xf32>
    %sub3A_23 = arith.subf %sub3A_21, %sub3A_22 : vector<1024x1xf32>
    %mul3A_24 = arith.constant 5.000000e-01 : f32
    %mul3A_25 = vector.broadcast %mul3A_24 : f32 to vector<1024x1xf32>
    %mul3A_26 = arith.mulf %mul3A_25, %sub3A_23 : vector<1024x1xf32>
    %slice3A = vector.extract_strided_slice %mul3A_26 {offsets = [0, 0], sizes = [1, 1], strides = [1, 1]} : vector<1024x1xf32> to vector<1x1xf32>
    %slice3A_27 = vector.extract_strided_slice %mul3A_26 {offsets = [64, 0], sizes = [64, 1], strides = [1, 1]} : vector<1024x1xf32> to vector<64x1xf32>
    %slice3A_28 = vector.extract_strided_slice %mul3A_26 {offsets = [256, 0], sizes = [512, 1], strides = [1, 1]} : vector<1024x1xf32> to vector<512x1xf32>
    %iota3A_29 = tpu.iota {dimensions = array<i32: 0>} : vector<512x64xi32>
    %iota3A_30 = tpu.iota {dimensions = array<i32: 1>} : vector<512x64xi32>
    %jit3A_31 = arith.constant 10 : i32
    %div3A = vector.broadcast %jit3A_31 : i32 to vector<512x64xi32>
    %div3A_32 = arith.divsi %iota3A_29, %div3A : vector<512x64xi32>
    %sign3A = arith.constant 0 : i32
    %sign3A_33 = vector.broadcast %sign3A : i32 to vector<512x64xi32>
    %sign3A_34 = arith.cmpi sgt, %iota3A_29, %sign3A_33 : vector<512x64xi32>
    %sign3A_35 = arith.extui %sign3A_34 : vector<512x64xi1> to vector<512x64xi32>
    %sign3A_36 = arith.constant 0 : i32
    %sign3A_37 = vector.broadcast %sign3A_36 : i32 to vector<512x64xi32>
    %sign3A_38 = arith.cmpi slt, %iota3A_29, %sign3A_37 : vector<512x64xi32>
    %sign3A_39 = arith.extui %sign3A_38 : vector<512x64xi1> to vector<512x64xi32>
    %sign3A_40 = arith.subi %sign3A_35, %sign3A_39 : vector<512x64xi32>
    %sign3A_41 = arith.constant 0 : i32
    %sign3A_42 = arith.cmpi sgt, %jit3A_31, %sign3A_41 : i32
    %sign3A_43 = arith.extui %sign3A_42 : i1 to i32
    %sign3A_44 = arith.constant 0 : i32
    %sign3A_45 = arith.cmpi slt, %jit3A_31, %sign3A_44 : i32
    %sign3A_46 = arith.extui %sign3A_45 : i1 to i32
    %sign3A_47 = arith.subi %sign3A_43, %sign3A_46 : i32
    %ne3A = vector.broadcast %sign3A_47 : i32 to vector<512x64xi32>
    %ne3A_48 = arith.cmpi ne, %sign3A_40, %ne3A : vector<512x64xi32>
    %rem3A = vector.broadcast %jit3A_31 : i32 to vector<512x64xi32>
    %rem3A_49 = arith.remsi %iota3A_29, %rem3A : vector<512x64xi32>
    %ne3A_50 = arith.constant 0 : i32
    %ne3A_51 = vector.broadcast %ne3A_50 : i32 to vector<512x64xi32>
    %ne3A_52 = arith.cmpi ne, %rem3A_49, %ne3A_51 : vector<512x64xi32>
    %and3A = arith.andi %ne3A_48, %ne3A_52 : vector<512x64xi1>
    %sub3A_53 = arith.constant 1 : i32
    %sub3A_54 = vector.broadcast %sub3A_53 : i32 to vector<512x64xi32>
    %sub3A_55 = arith.subi %div3A_32, %sub3A_54 : vector<512x64xi32>
    %select_n3A_56 = arith.select %and3A, %sub3A_55, %div3A_32 : vector<512x64xi1>, vector<512x64xi32>
    %eq3A_57 = arith.cmpi eq, %select_n3A_56, %iota3A_30 : vector<512x64xi32>
    %jit3A_58 = arith.constant 1.000000e+00 : f32
    %jit3A_59 = arith.constant 0.000000e+00 : f32
    %broadcast_in_dim3A_60 = vector.broadcast %jit3A_58 : f32 to vector<512x64xf32>
    %broadcast_in_dim3A_61 = vector.broadcast %jit3A_59 : f32 to vector<512x64xf32>
    %select_n3A_62 = arith.select %eq3A_57, %broadcast_in_dim3A_60, %broadcast_in_dim3A_61 : vector<512x64xi1>, vector<512x64xf32>
    %dot_general3A = arith.constant dense<0.000000e+00> : vector<512x1xf32>
    %dot_general3A_63 = tpu.matmul %select_n3A_62, %slice3A_27, %dot_general3A {dimension_numbers = #tpu.dot_dimension_numbers<[1], [0], [0], [1], [0, 0, 1, 1], [], []>, precision = #tpu.contract_precision<fp32>, transpose_lhs_hint = false} : vector<512x64xf32>, vector<64x1xf32>, vector<512x1xf32> -> vector<512x1xf32>
    %sub3A_64 = arith.subf %slice3A_28, %dot_general3A_63 : vector<512x1xf32>
    %add3A_65 = arith.constant 1.000000e+00 : f32
    %add3A_66 = vector.broadcast %add3A_65 : f32 to vector<512x1xf32>
    %add3A_67 = arith.addf %sub3A_64, %add3A_66 : vector<512x1xf32>
    %max3A = arith.constant 0.000000e+00 : f32
    %max3A_68 = vector.broadcast %max3A : f32 to vector<512x1xf32>
    %max3A_69 = arith.maximumf %add3A_67, %max3A_68 : vector<512x1xf32>
    %iota3A_70 = tpu.iota {dimensions = array<i32: 0>} : vector<512x1xi32>
    %lt3A = arith.constant 500 : i32
    %lt3A_71 = vector.broadcast %lt3A : i32 to vector<512x1xi32>
    %lt3A_72 = arith.cmpi slt, %iota3A_70, %lt3A_71 : vector<512x1xi32>
    %jit3A_73 = arith.constant 0.000000e+00 : f32
    %broadcast_in_dim3A_74 = vector.broadcast %jit3A_73 : f32 to vector<512x1xf32>
    %select_n3A_75 = arith.select %lt3A_72, %max3A_69, %broadcast_in_dim3A_74 : vector<512x1xi1>, vector<512x1xf32>
    %reduce_sum3A_76 = vector.shape_cast %select_n3A_75 : vector<512x1xf32> to vector<1x512x1xf32>
    %reduce_sum3A_77 = arith.constant dense<0.000000e+00> : vector<1xf32>
    %reduce_sum3A_78 = vector.multi_reduction <add>, %reduce_sum3A_76, %reduce_sum3A_77 [1, 2] : vector<1x512x1xf32> to vector<1xf32>
    %reduce_sum3A_79 = vector.shape_cast %reduce_sum3A_78 : vector<1xf32> to vector<1x1x1xf32>
    %reduce_sum3A_80 = vector.extract %reduce_sum3A_79[0, 0, 0] : f32 from vector<1x1x1xf32>
    %broadcast_in_dim3A_81 = vector.broadcast %reduce_sum3A_80 : f32 to vector<1x1xf32>
    %sub3A_82 = arith.subf %broadcast_in_dim3A_81, %slice3A : vector<1x1xf32>
    %swap3A = arith.constant 0 : index
    %swap3A_83 = arith.constant 0 : index
    %swap3A_84 = vector.load %arg4[%swap3A, %swap3A_83] : memref<1x1xf32, #tpu.memory_space<vmem>>, vector<1x1xf32>
    tpu.vector_store %arg4[%swap3A, %swap3A_83], %sub3A_82 {strides = array<i32>} : memref<1x1xf32, #tpu.memory_space<vmem>>, vector<1x1xf32>,
    return
  }
}

</mosaic_0001>

<sc_bundles>
// kernel: kernel.5.cloned.1.call-start
scs
__scs_entry_jumppad:
0x0: {  	(pc) =	sbr.rel $0x88, $3  }
0x1: {  	(tag) =	ssettag $0x0;
	lr =	simm.s32 $0x1  }
0x2: {  	[smem:$0x3F95] =	sst lr;
	_ =	strace $0xD0000000  }
0x3: {  	_ = 	snop  }
0x4: {  	_ = 	snop  }
0x5: {  	_ = 	snop  }
0x6: {  	_ = 	snop  }
0x7: {  	_ = 	snop  }
__scs_overlays_trampoline_lowered:
0x8: {  	[smem:$0x3FA4] =	sst s0  }
0x9: {  	[smem:$0x3FA5] =	sst s1  }
0xa: {  	[smem:$0x3FA6] =	sst s2  }
0xb: {  	[smem:$0x3FA7] =	sst s3  }
0xc: {  	[smem:$0x3FA8] =	sst s4  }
0xd: {  	[smem:$0x3FA9] =	sst s5  }
0xe: {  	[smem:$0x3FAA] =	sst s6  }
0xf: {  	[smem:$0x3FAB] =	sst s7  }
0x10: {  	[smem:$0x3FAC] =	sst s8  }
0x11: {  	[smem:$0x3FAD] =	sst s9;
	s0 =	simm.s32 @!p0 $0x0  }
0x12: {  	s1 =	sld [smem:$0x3F93];
	s0 =	simm.s32 @p0 $0x1  }
0x13: {  	[smem:$0x3FAE] =	sst s0;
	s0 =	simm.s32 @!p1 $0x0  }
0x14: {  	s2 =	sld [smem:$0x3F92];
	s0 =	simm.s32 @p1 $0x1  }
0x15: {  	[smem:$0x3FAF] =	sst s0;
	s0 =	simm.s32 @!p2 $0x0  }
0x16: {  	s3 =	sld [smem:$0x3FDB];
	s0 =	simm.s32 @p2 $0x1  }
0x17: {  	s4 =	simm.s32 $0x1BF5;
	[smem:$0x3FB1] =	sst s0  }
0x18: {  	s0 =	sld [smem:$0x3F94];
	_ =	swait.ge [sflag:s4], $0x0  }
0x19: {  	s7 =	sld [smem:$0x3F95]  }
0x1a: {  	s8 =	sadd.s32 $0xFFFFE003, lr  }
0x1b: {  	s9 =	sadd.s32 $0xFFFFFEF7, lr;
	s5 =	simm.s32 $0xFFFFFFFF;
	p2 =	slt.u32 s8, $0xFFFFF086  }
0x1c: {  	p1 =	slt.u32 s9, $0xF7A;
	s5 =	simm.s32 @!p2 $0x0  }
0x1d: {  	s5 =	simm.s32 @p1 $0x1;
	p0 =	seq.s32 s7, s2  }
0x1e: {  	s7 =	smul.u32 @!p0 $0xF7A, s2;
	p2 =	seq.s32 @!p0 s5, $0x0  }
0x1f: {  	s9 =	smul.u32 $0xF7A, s1;
	s8 =	simm.s32 @!p0 $0x1BF5;
	p2 =	por !p2, p0  }
0x20: {  	[sflag:s8] =	ssyncset.s32 @!p0 $0xFFFFF086;
	s6 =	sadd.s32 @!p0 s3, s7;
	s7 =	simm.s32 @!p0 $0x108  }
0x21: {  	s3 =	sadd.s32 s3, s9;
	s6 =	sadd.s32 @!p0 $0x88, s6;
	s7 =	simm.s32 @p2 $0x1082  }
0x22: {  	[simem:s7], [sflag:s8] =	dma.local @!p0 [hbm:s6], $0xF7A  }
0x23: {  	s9 =	sor.u32 $0xD0000000, s2;
	s6 =	simm.s32 $0x108;
	_ =	swait.ge @!p0 [sflag:s8], $0x0  }
0x24: {  	s3 =	sadd.s32 $0x88, s3;
	s6 =	simm.s32 @!p1 $0x1082;
	[sflag:s4] =	ssyncset.s32 $0xFFFFF086  }
0x25: {  	[simem:s6], [sflag:s4] =	dma.local [hbm:s3], $0xF7A  }
0x26: {  	[smem:$0x3F95] =	sst s1;
	(tag) =	ssettag s2;
	_ =	strace s9  }
0x27: {  	s1 =	sld [smem:$0x3FA5]  }
0x28: {  	s2 =	sld [smem:$0x3FA6]  }
0x29: {  	s4 =	sld [smem:$0x3FA8]  }
0x2a: {  	p0 =	seq.s32 s5, $0x0;
	s5 =	sld [smem:$0x3FA9]  }
0x2b: {  	s6 =	sld [smem:$0x3FAA]  }
0x2c: {  	s7 =	sld [smem:$0x3FAB]  }
0x2d: {  	s3 =	simm.s32 $0x108;
	s8 =	sld [smem:$0x3FAC]  }
0x2e: {  	s3 =	simm.s32 @!p0 $0x1082;
	s9 =	sld [smem:$0x3FAD]  }
0x2f: {  	lr =	sadd.s32 s0, s3;
	s0 =	sld [smem:$0x3FA4]  }
0x30: {  	s3 =	sld [smem:$0x3FA7]  }
0x31: {  	[smem:$0x3FB0] =	sst s10  }
0x32: {  	s10 =	sld [smem:$0x3FAE];
	_ =	sdelay $0x3  }
0x33: {  	p0 =	seq.s32 s10, $0x1;
	s10 =	sld [smem:$0x3FB0];
	_ =	sdelay $0x3  }
0x34: {  	[smem:$0x3FB0] =	sst s10  }
0x35: {  	s10 =	sld [smem:$0x3FAF];
	_ =	sdelay $0x3  }
0x36: {  	p1 =	seq.s32 s10, $0x1;
	s10 =	sld [smem:$0x3FB0];
	_ =	sdelay $0x3  }
0x37: {  	[smem:$0x3FB0] =	sst s10  }
0x38: {  	s10 =	sld [smem:$0x3FB1]  }
0x39: {  	_ = 	snop;
	(pc) =	sbr.ind lr, $3  }
0x3a: {  	_ = 	snop  }
0x3b: {  	_ = 	snop  }
0x3c: {  	p2 =	seq.s32 s10, $0x1;
	s10 =	sld [smem:$0x3FB0]  }
0x3d: {  	_ =	shalt  }
0x3e: {  	_ =	shalt  }
0x3f: {  	_ =	shalt  }
0x40: {  	_ =	shalt  }
0x41: {  	_ =	shalt  }
0x42: {  	_ =	shalt  }
0x43: {  	_ =	shalt  }
0x44: {  	_ =	shalt  }
0x45: {  	_ =	shalt  }
0x46: {  	_ =	shalt  }
0x47: {  	_ =	shalt  }
0x48: {  	_ =	shalt  }
0x49: {  	_ =	shalt  }
0x4a: {  	_ =	shalt  }
0x4b: {  	_ =	shalt  }
0x4c: {  	_ =	shalt  }
0x4d: {  	_ =	shalt  }
0x4e: {  	_ =	shalt  }
0x4f: {  	_ =	shalt  }
0x50: {  	_ =	shalt  }
0x51: {  	_ =	shalt  }
0x52: {  	_ =	shalt  }
0x53: {  	_ =	shalt  }
0x54: {  	_ =	shalt  }
0x55: {  	_ =	shalt  }
0x56: {  	_ =	shalt  }
0x57: {  	_ =	shalt  }
0x58: {  	_ =	shalt  }
0x59: {  	_ =	shalt  }
0x5a: {  	_ =	shalt  }
0x5b: {  	_ =	shalt  }
0x5c: {  	_ =	shalt  }
0x5d: {  	_ =	shalt  }
0x5e: {  	_ =	shalt  }
0x5f: {  	_ =	shalt  }
0x60: {  	_ =	shalt  }
0x61: {  	_ =	shalt  }
0x62: {  	_ =	shalt  }
0x63: {  	_ =	shalt  }
0x64: {  	_ =	shalt  }
0x65: {  	_ =	shalt  }
0x66: {  	_ =	shalt  }
0x67: {  	_ =	shalt  }
0x68: {  	_ =	shalt  }
0x69: {  	_ =	shalt  }
0x6a: {  	_ =	shalt  }
0x6b: {  	_ =	shalt  }
0x6c: {  	_ =	shalt  }
0x6d: {  	_ =	shalt  }
0x6e: {  	_ =	shalt  }
0x6f: {  	_ =	shalt  }
0x70: {  	_ =	shalt  }
0x71: {  	_ =	shalt  }
0x72: {  	_ =	shalt  }
0x73: {  	_ =	shalt  }
0x74: {  	_ =	shalt  }
0x75: {  	_ =	shalt  }
0x76: {  	_ =	shalt  }
0x77: {  	_ =	shalt  }
0x78: {  	_ =	shalt  }
0x79: {  	_ =	shalt  }
0x7a: {  	_ =	shalt  }
0x7b: {  	_ =	shalt  }
0x7c: {  	_ =	shalt  }
0x7d: {  	_ =	shalt  }
0x7e: {  	_ =	shalt  }
0x7f: {  	_ =	shalt  }
0x80: {  	_ =	shalt  }
0x81: {  	_ =	shalt  }
0x82: {  	_ =	shalt  }
0x83: {  	_ =	shalt  }
0x84: {  	_ =	shalt  }
0x85: {  	_ =	shalt  }
0x86: {  	_ =	shalt  }
0x87: {  	_ =	shalt  }
.Lfunc_end0:
.L_simem_size_0:
called_computation_lowered:
.L_overlay_start_0:
0x88: {  	s2 =	sld [smem:$0x3FD9]  }
0x89: {  	s3 =	sld [smem:$0x3FFE];
	_ =	sdelay $0x1  }
0x8a: {  	s1 =	srdreg.scid  }
0x8b: {  	s0 =	sand.u32 $0x1, s1  }
0x8c: {  	s16 =	sshll.u32 s0, $0xA;
	s2 =	sadd.s32 s3, s2  }
0x8d: {  	s2 =	sadd.s32 s2, s16  }
0x8e: {  	[smem:$0x3FBC] =	sst s2  }
0x8f: {  	_ = 	snop  }
0x90: {  	(tm) =	ssettm $0x1  }
0x91: {  	s17 =	sld [smem:$0x3FFB];
	_ =	sdelay $0x3  }
0x92: {  	_ =	strace s17  }
0x93: {  	s2 =	sld [smem:$0x3FFC];
	_ =	sdelay $0x3  }
0x94: {  	_ =	strace s2  }
0x95: {  	s2 =	sld [smem:$0x3FFD];
	_ =	sdelay $0x3  }
0x96: {  	_ =	strace s2  }
0x97: {  	_ =	strace $0x8FFFFFFF  }
0x98: {  	s18 =	sld [smem:$0x3FDB];
	_ =	sdelay $0x1  }
0x99: {  	s19 =	simm.s32 $_scs_section_size  }
0x9a: {  	s4 =	simm.s32 $_size__tile_overlayer_lowered;
	s5 =	simm.s32 $_tile_overlayer_lowered  }
0x9b: {  	s22 =	simm.s32 $0x1BFF;
	s21 =	sshll.u32 s5, $0x1;
	s2 =	sadd.s32 s19, s18  }
0x9c: {  	s6 =	simm.s32 $0x0;
	s20 =	sshll.u32 s4, $0x1;
	s4 =	sadd.s32 s21, s2  }
0x9d: {  	[timem:s6], [sflag:s22] =	dma.local [hbm:s4], s20  }
0x9e: {  	_ =	swait.ge [sflag:s22], s20  }
0x9f: {  	s3 =	ssub.s32 $0x0, s20;
	[sflag:s22] =	ssyncset.done $0x0  }
0xa0: {  	[sflag:s22] =	ssyncadd.s32 s3;
	_ =	sdelay $0x1  }
0xa1: {  	s23 =	simm.s32 $0x1B8B  }
0xa2: {  	_ =	swait.ge [sflag:s23], $0x1  }
0xa3: {  	[sflag:s23] =	ssyncset.done $0x0  }
0xa4: {  	s25 =	simm.s32 $0x1B8E;
	s24 =	sld [smem:$0x3FFE];
	[sflag:s23] =	ssyncadd.s32 $0xFFFFFFFF  }
0xa5: {  	s26 =	simm.s32 $execute0_lowered;
	[smem:$0x3FD2] =	sst s25  }
0xa6: {  	s4 =	sshll.u32 s26, $0x1;
	_ =	strace $0x80000046;
	[dreg:$0x1] =	wrdreg $0xFFFFFFFF  }
0xa7: {  	s28 =	simm.s32 $_size_execute0_lowered;
	s2 =	sadd.s32 s2, s4;
	[dreg:$0x0] =	wrdreg $0x0  }
0xa8: {  	s4 =	sshll.u32 s28, $0x1;
	[dreg:$0x2] =	wrdreg s2  }
0xa9: {  	[dreg:$0x3] =	wrdreg s4  }
0xaa: {  	[dreg:$0x4] =	wrdreg $0xC0  }
0xab: {  	_ =	task [dreg:s6], $0x5FFFF  }
0xac: {  	[dreg:$0x1] =	wrdreg $0xFFFFFFFF  }
0xad: {  	[dreg:$0x0] =	wrdreg $0x60  }
0xae: {  	[dreg:$0x2] =	wrdreg s24  }
0xaf: {  	[dreg:$0x3] =	wrdreg $0x9  }
0xb0: {  	_ =	task.clear_ibuf [dreg:s6], $0x4FFFF;
	_ =	strace $0x90000046  }
0xb1: {  	s29 =	simm.s32 $0x9;
	_ =	strace $0x80000048  }
0xb2: {  	_ =	swait.ge [sflag:s29], $0x1  }
0xb3: {  	[sflag:s29] =	ssyncadd.s32 $0xFFFFFFFF  }
0xb4: {  	_ =	strace $0x90000048  }
0xb5: {  	_ =	sfence  }
0xb6: {  	s30 =	sld [smem:$0x0];
	_ =	sdelay $0x2  }
0xb7: {  	s31 =	sshll.u32 s1, $0xD;
	s1 =	sshrl.u32 s1, $0x2  }
0xb8: {  	s3 =	sand.u32 $0x4000, s31;
	s1 =	sadd.s32 s1, s30  }
0xb9: {  	s0 =	sor.u32 s3, s0;
	s1 =	sshll.u32 s1, $0x11  }
0xba: {  	s0 =	sor.u32 s1, s0  }
0xbb: {  	s0 =	sadd.s32 $0x8F2B, s0  }
0xbc: {  	[sflag:s0] =	ssyncadd.remote.s32 $0x1  }
0xbd: {  	_ =	sfence.sel $0xFFFF  }
0xbe: {  	[dreg:$0x0] =	wrdreg $0xFFFFFFFF;
	(pc) =	sbr.abs _section_cstart, $3  }
0xbf: {  	[dreg:$0x1] =	wrdreg $0xFFFFFFFF  }
0xc0: {  	_ =	task.clear_ibuf [dreg:s6], $0x2FFFF;
	_ =	strace $0x9FFFFFFF  }
0xc1: {  	(tm) =	ssettm $0x7FFFFFFF  }
tec
execute0_lowered:
.L_overlay_start_1:
0x0: {  	(tag) =	ssettag $0x1  }
0x1: {  	s1 =	srdreg.scid  }
0x2: {  	s0 =	stileid.u32;
	s13 =	sand.u32 $0x1, s1  }
0x3: {  	s31 =	sshll.u32 s0, $0x6;
	s2 =	sshll.u32 s13, $0x5  }
0x4: {  	s12 =	rddreg [dreg:$0x0];
	s14 =	sor.u32 s2, s31  }
0x5: {  	s1 =	rddreg [dreg:$0x1];
	s2 =	simm.s32 $0x0;
	s3 =	sshrl.u32 s14, $0x3  }
0x6: {  	[smem:$0x7FF] =	sst s2;
	s3 =	sadd.s32 s3, s12  }
0x7: {  	_ =	strace $0x80000047;
	s4 =	sadd.s32 $0x1A00, s3;
	s3 =	simm.s32 $0x3  }
0x8: {  	[tilespmem:s2], [sflag:$0x3] =	stream.linear.gather [hbm4b:s4+s2], $0x20, $0x38;
	[tilespmem:$0x2100] =	vst v63  }
0x9: {  	_ =	swait.ge [sflag:s3], $0x20  }
0xa: {  	[sflag:s3] =	ssyncset.done $0x0  }
0xb: {  	[sflag:s3] =	ssyncadd.s32 $0xFFFFFFE0  }
0xc: {  	v0 =	vld [tilespmem:$0x0]  }
0xd: {  	v1 =	vld [tilespmem:$0x10];
	_ =	sdelay $0x3  }
0xe: {  	v0 =	vshrl.u32 v0, $0x7  }
0xf: {  	s6 =	simm.s32 $0x20;
	v63 =	vshrl.u32 v1, $0x7;
	[tilespmem:$0x80] =	vst v0  }
0x10: {  	s7 =	simm.s32 $0x80;
	s8 =	simm.s32 $0x100;
	s5 =	sadd.s32 $0x1C00, s12;
	[tilespmem:$0x90] =	vst v63  }
0x11: {  	[tilespmem:s8], [sflag:$0x1] =	stream.indirect.gather [hbm4b:s5+s6], $0x80, s7, s6, $0xb8;
	[tilespmem:$0x2100] =	vst v63  }
0x12: {  	s10 =	simm.s32 $0x1100;
	s11 =	simm.s32 $0x1;
	s9 =	sadd.s32 $0x4E00, s12  }
0x13: {  	[tilespmem:s10], [sflag:$0x2] =	stream.indirect.gather [hbm4b:s9+s6], $0x80, s7, s6, $0xb8;
	[tilespmem:$0x2100] =	vst v63  }
0x14: {  	s14 =	sshll.u32 s14, $0x4;
	_ =	swait.ge [sflag:s11], $0x1000  }
0x15: {  	s15 =	ssub.s32 $0x2, s13;
	s14 =	sadd.s32 s14, s12;
	[sflag:s11] =	ssyncset.done $0x0  }
0x16: {  	s16 =	sshrl.u32 s15, $0x1;
	s12 =	sadd.s32 $0x8000, s14;
	[sflag:s11] =	ssyncadd.s32 $0xFFFFF000  }
0x17: {  	[hbm4b:s12+s2] =	stream.linear.scatter [tilespmem:s8], [sflag:$0x3], $0x1000, $0x38;
	[tilespmem:$0x2100] =	vst v63  }
0x18: {  	s15 =	ssub.s32 s15, s16;
	_ =	swait.ge [sflag:s3], $0x1000  }
0x19: {  	s15 =	smax.u32 s15, $0x1;
	[sflag:s3] =	ssyncset.done $0x0  }
0x1a: {  	s13 =	simm.s32 $0x2;
	p0 =	sne.s32 s15, $0x1;
	[sflag:s3] =	ssyncadd.s32 $0xFFFFF000  }
.Ltmp0:
0x1b: {  	_ =	swait.ge [sflag:s13], $0x1000;
	(pc) =	sbr.rel @!p0 .LBB2_2-.Ltmp0, $4  }
0x1c: {  	[sflag:s13] =	ssyncset.done $0x0  }
0x1d: {  	s14 =	sadd.s32 $0xC000, s14;
	[sflag:s13] =	ssyncadd.s32 $0xFFFFF000  }
0x1e: {  	[hbm4b:s14+s2] =	stream.linear.scatter [tilespmem:s10], [sflag:$0x3], $0x1000, $0x38;
	[tilespmem:$0x2100] =	vst v63  }
0x1f: {  	s15 =	sadd.s32 $0xFFFFFFFF, s15;
	_ =	swait.ge [sflag:s3], $0x1000  }
.LBB2_1:
0x20: {  	p0 =	sne.s32 s15, $0x1;
	s15 =	sadd.s32 $0xFFFFFFFF, s15;
	[sflag:s3] =	ssyncset.done $0x0  }
0x21: {  	[sflag:s3] =	ssyncadd.s32 $0xFFFFF000  }
0x22: {  	[tilespmem:s2], [sflag:$0x3] =	stream.linear.gather [hbm4b:s4+s2], $0x20, $0x38;
	[tilespmem:$0x2100] =	vst v63  }
0x23: {  	_ =	swait.ge [sflag:s3], $0x20  }
0x24: {  	[sflag:s3] =	ssyncset.done $0x0  }
0x25: {  	[sflag:s3] =	ssyncadd.s32 $0xFFFFFFE0  }
0x26: {  	v0 =	vld [tilespmem:$0x0]  }
0x27: {  	v1 =	vld [tilespmem:$0x10];
	_ =	sdelay $0x3  }
0x28: {  	v0 =	vshrl.u32 v0, $0x7  }
0x29: {  	[tilespmem:$0x80] =	vst v0;
	v0 =	vshrl.u32 v1, $0x7  }
0x2a: {  	[tilespmem:$0x90] =	vst v0  }
0x2b: {  	[tilespmem:s8], [sflag:$0x1] =	stream.indirect.gather [hbm4b:s5+s6], $0x80, s7, s6, $0xb8;
	[tilespmem:$0x2100] =	vst v63  }
0x2c: {  	_ = 	snop  }
0x2d: {  	[tilespmem:s10], [sflag:$0x2] =	stream.indirect.gather [hbm4b:s9+s6], $0x80, s7, s6, $0xb8;
	[tilespmem:$0x2100] =	vst v63  }
0x2e: {  	_ =	swait.ge [sflag:s11], $0x1000  }
0x2f: {  	[sflag:s11] =	ssyncset.done $0x0  }
0x30: {  	[sflag:s11] =	ssyncadd.s32 $0xFFFFF000  }
0x31: {  	[hbm4b:s12+s2] =	stream.linear.scatter [tilespmem:s8], [sflag:$0x3], $0x1000, $0x38;
	[tilespmem:$0x2100] =	vst v63  }
0x32: {  	_ =	swait.ge [sflag:s3], $0x1000  }
0x33: {  	[sflag:s3] =	ssyncset.done $0x0  }
0x34: {  	[sflag:s3] =	ssyncadd.s32 $0xFFFFF000  }
.Ltmp1:
0x35: {  	_ =	swait.ge [sflag:s13], $0x1000;
	(pc) =	sbr.rel @p0 .LBB2_1-.Ltmp1, $4  }
0x36: {  	[sflag:s13] =	ssyncset.done $0x0  }
0x37: {  	[sflag:s13] =	ssyncadd.s32 $0xFFFFF000  }
0x38: {  	[hbm4b:s14+s2] =	stream.linear.scatter [tilespmem:s10], [sflag:$0x3], $0x1000, $0x38;
	[tilespmem:$0x2100] =	vst v63  }
0x39: {  	_ =	swait.ge [sflag:s3], $0x1000  }
.LBB2_2:
0x3a: {  	[sflag:s3] =	ssyncset.done $0x0  }
0x3b: {  	[sflag:s3] =	ssyncadd.s32 $0xFFFFF000  }
0x3c: {  	_ =	sfence.sel $0x180000  }
0x3d: {  	[bflag:$0x0] =	sbarrier.arrive $0xFFFF  }
0x3e: {  	p0 =	sne.s32 s0, $0x0;
	_ =	strace $0x90000047  }
0x3f: {  	s0 =	sadd.s32 @!p0 $0x100000, s1;
	[bflag:$0x2] =	sbarrier.arrive $0xFFFF  }
0x40: {  	[sflag:s0] =	ssyncadd.tile.s32 @!p0 $0x1;
	_ =	shalt  }
.Lfunc_end2:
_tile_overlayer_lowered:
.L_overlay_start_2:
0x41: {  	(tag) =	ssettag $0x2  }
0x42: {  	s0 =	rddreg [dreg:$0x0];
	s2 =	stileid.u32  }
0x43: {  	s1 =	rddreg [dreg:$0x1];
	p0 =	sne.s32 s2, $0x0  }
0x44: {  	s3 =	rddreg [dreg:$0x2];
	[bflag:$0x3] =	sbarrier.arrive $0xFFFF;
	s2 =	simm.s32 @!p0 $0x1C03  }
0x45: {  	[timem:s3], [sflag:s2] =	dma.local @!p0 [hbm:s0], s1  }
0x46: {  	s0 =	simm.s32 @!p0 $0x3  }
0x47: {  	_ =	swait.ge @!p0 [sflag:s0], s1  }
0x48: {  	s1 =	ssub.s32 @!p0 $0x0, s1;
	[sflag:s0] =	ssyncset.done @!p0 $0x0  }
0x49: {  	[sflag:s0] =	ssyncadd.s32 @!p0 s1  }
0x4a: {  	[bflag:$0x3] =	sbarrier.arrive $0xFFFF  }
0x4b: {  	_ =	shalt  }

</sc_bundles>
